<compile_context>
chip_gen: v7x
topology: tpu7x:2x2x1
jax: 0.10.2.dev20260603
libtpu: 0.0.44.dev20260713+nightly
codegen_flags: <defaults>
</compile_context>

<pallas_src>
import functools

import jax
import jax.numpy as jnp
from jax import lax
from jax.experimental import pallas as pl
from jax.experimental.pallas import tpu as pltpu
from jax.experimental.pallas import tpu_sc as plsc

N_NODES = 10000
LANES = 16
NC = 2
NS = 16
BN = 1000



def _mm_scale_body(dp_ref, x_ref, w_ref, g_ref, dv_ref):
    deg = jnp.sum(dp_ref[...], axis=0) + 1.0
    dinv = lax.rsqrt(deg)[:, None]
    h = jnp.dot(x_ref[...], w_ref[...], preferred_element_type=jnp.float32)
    g_ref[...] = (h * dinv).astype(jnp.bfloat16)
    dv_ref[...] = dinv


def _tc_mm_scale(degp, x, w):
    nw = degp.shape[0]
    n, ci = x.shape
    co = w.shape[1]
    return pl.pallas_call(
        _mm_scale_body,
        grid=(1,),
        in_specs=[pl.BlockSpec((nw, n), lambda i: (0, 0)),
                  pl.BlockSpec((n, ci), lambda i: (0, 0)),
                  pl.BlockSpec((ci, co), lambda i: (0, 0))],
        out_specs=[pl.BlockSpec((n, co), lambda i: (0, 0)),
                   pl.BlockSpec((n, 1), lambda i: (0, 0))],
        out_shape=[jax.ShapeDtypeStruct((n, co), jnp.bfloat16),
                   jax.ShapeDtypeStruct((n, 1), jnp.float32)],
    )(degp, x, w)


def _mid_body(s_ref, dv_ref, b_ref, w_ref, o_ref):
    s = s_ref[0].astype(jnp.float32) + s_ref[1].astype(jnp.float32)
    dv = dv_ref[...]
    z = jnp.maximum(s * dv + b_ref[...], 0.0)
    h2 = jnp.dot(z, w_ref[...], preferred_element_type=jnp.float32)
    o_ref[...] = (h2 * dv).astype(jnp.bfloat16)


def _tc_mid(s1, dinv, b1, w2):
    _, n, c = s1.shape
    co = w2.shape[1]
    return pl.pallas_call(
        _mid_body,
        grid=(1,),
        in_specs=[pl.BlockSpec((2, n, c), lambda i: (0, 0, 0)),
                  pl.BlockSpec((n, 1), lambda i: (0, 0)),
                  pl.BlockSpec((1, c), lambda i: (0, 0)),
                  pl.BlockSpec((c, co), lambda i: (0, 0))],
        out_specs=pl.BlockSpec((n, co), lambda i: (0, 0)),
        out_shape=jax.ShapeDtypeStruct((n, co), jnp.bfloat16),
    )(s1, dinv, b1, w2)


def _fin_body(s_ref, dv_ref, b_ref, o_ref):
    s = s_ref[0].astype(jnp.float32) + s_ref[1].astype(jnp.float32)
    o_ref[...] = s * dv_ref[...] + b_ref[...]


def _tc_final(s2, dinv, b2):
    _, n, c = s2.shape
    return pl.pallas_call(
        _fin_body,
        grid=(1,),
        in_specs=[pl.BlockSpec((2, n, c), lambda i: (0, 0, 0)),
                  pl.BlockSpec((n, 1), lambda i: (0, 0)),
                  pl.BlockSpec((1, c), lambda i: (0, 0))],
        out_specs=pl.BlockSpec((n, c), lambda i: (0, 0)),
        out_shape=jax.ShapeDtypeStruct((n, c), jnp.float32),
    )(s2, dinv, b2)



def _sc_deg(dst):
    e = dst.shape[0]
    nw = NC * NS
    epw = e // nw
    n = N_NODES
    mesh = plsc.VectorSubcoreMesh(core_axis_name="c", subcore_axis_name="s")

    @functools.partial(
        pl.kernel,
        out_type=jax.ShapeDtypeStruct((nw, n), jnp.float32),
        mesh=mesh,
        scratch_types=[pltpu.VMEM((n,), jnp.float32),
                       pltpu.VMEM((epw,), jnp.int32)],
        compiler_params=pltpu.CompilerParams(needs_layout_passes=False),
    )
    def k(dst_hbm, out_hbm, deg_v, idx_v):
        cid = lax.axis_index("c")
        sid = lax.axis_index("s")
        wid = sid * NC + cid

        def zero(i, carry):
            deg_v[pl.ds(i * LANES, LANES)] = jnp.zeros((LANES,), jnp.float32)
            return carry
        lax.fori_loop(0, n // LANES, zero, 0)

        pltpu.sync_copy(dst_hbm.at[pl.ds(wid * epw, epw)], idx_v)
        ones = jnp.full((LANES,), 1.0, jnp.float32)

        def body(j, carry):
            idx = idx_v[pl.ds(j * LANES, LANES)]
            plsc.addupdate_scatter(deg_v, [idx], ones)
            return carry
        lax.fori_loop(0, epw // LANES, body, 0)

        pltpu.sync_copy(deg_v, out_hbm.at[wid])

    return k(dst)


def _sc_edge(g, src2, dst2, zslice):
    n, c = g.shape
    nrows = src2.shape[0]
    bch = src2.shape[1]
    nw = NC * NS
    nrt = nrows // nw
    nlft = nrows - nrt * nw
    rpt = n // NS
    esz = jnp.dtype(g.dtype).itemsize
    acc_words = n * c * esz // 4
    def _words(seg):
        return acc_words + NS * (2 * seg * bch + bch * c * esz // 2 + 128)
    if _words(nrt) <= 2_000_000:
        seg0 = nrt - (nrt & 1)
    else:
        half = (nrt + 1) // 2
        seg0 = half + (half & 1)
    seg1 = nrt - seg0
    mesh = plsc.VectorSubcoreMesh(core_axis_name="c", subcore_axis_name="s")

    @functools.partial(
        pl.kernel,
        out_type=jax.ShapeDtypeStruct((NC, n, c), g.dtype),
        mesh=mesh,
        scratch_types=[
            pltpu.VMEM_SHARED((n, c), g.dtype),
            pltpu.VMEM((seg0, bch), jnp.int32),
            pltpu.VMEM((seg0, bch), jnp.int32),
            pltpu.VMEM((2, bch, c), g.dtype),
            pltpu.VMEM((1, bch), jnp.int32),
            pltpu.VMEM((1, bch), jnp.int32),
            pltpu.SemaphoreType.DMA,
            pltpu.SemaphoreType.DMA,
        ],
        compiler_params=pltpu.CompilerParams(use_tc_tiling_on_sc=False),
    )
    def k(g_hbm, src_hbm, dst_hbm, z_hbm, out_hbm,
          acc, sidx, didx, rows, lsidx, ldidx, sem0, sem1):
        cid = lax.axis_index("c")
        sid = lax.axis_index("s")
        wid = cid * NS + sid
        r0 = sid * rpt

        @pl.when(cid == 0)
        def _():
            pltpu.sync_copy(g_hbm.at[pl.ds(r0, rpt)], acc.at[pl.ds(r0, rpt)])

        @pl.when(cid != 0)
        def _():
            pltpu.sync_copy(z_hbm, acc.at[pl.ds(r0, rpt)])

        plsc.subcore_barrier()

        i0 = wid * nrt

        gbytes = bch * c * esz

        def run_segment(row0, m):
            pltpu.sync_copy(src_hbm.at[pl.ds(row0, m)], sidx.at[pl.ds(0, m)])
            pltpu.sync_copy(dst_hbm.at[pl.ds(row0, m)], didx.at[pl.ds(0, m)])
            pltpu.async_copy(g_hbm.at[sidx.at[0]], rows.at[0], sem0)
            pltpu.async_copy(g_hbm.at[sidx.at[1]], rows.at[1], sem1)

            def step(t, carry):
                a = 2 * t
                b = a + 1
                pltpu.make_async_copy(g_hbm.at[pl.ds(0, bch)],
                                      rows.at[0], sem0).wait()
                pltpu.sync_copy(rows.at[0], acc.at[didx.at[a]], add=True)

                @pl.when(a + 2 < m)
                def _():
                    pltpu.async_copy(g_hbm.at[sidx.at[a + 2]],
                                     rows.at[0], sem0)

                pltpu.make_async_copy(g_hbm.at[pl.ds(0, bch)],
                                      rows.at[1], sem1).wait()
                pltpu.sync_copy(rows.at[1], acc.at[didx.at[b]], add=True)

                @pl.when(b + 2 < m)
                def _():
                    pltpu.async_copy(g_hbm.at[sidx.at[b + 2]],
                                     rows.at[1], sem1)
                return carry
            lax.fori_loop(0, m // 2, step, 0)

        run_segment(i0, seg0)
        if seg1 >= 2:
            run_segment(i0 + seg0, seg1 - (seg1 & 1))
        if seg1 & 1:
            a = nrt - 1
            pltpu.sync_copy(src_hbm.at[pl.ds(i0 + a, 1)], lsidx)
            pltpu.sync_copy(dst_hbm.at[pl.ds(i0 + a, 1)], ldidx)
            pltpu.async_copy(g_hbm.at[lsidx.at[0]], rows.at[0], sem0)
            pltpu.make_async_copy(g_hbm.at[pl.ds(0, bch)],
                                  rows.at[0], sem0).wait()
            pltpu.sync_copy(rows.at[0], acc.at[ldidx.at[0]], add=True)

        if nlft:
            @pl.when(wid < nlft)
            def _():
                j0 = nw * nrt + wid
                pltpu.sync_copy(src_hbm.at[pl.ds(j0, 1)], lsidx)
                pltpu.sync_copy(dst_hbm.at[pl.ds(j0, 1)], ldidx)
                pltpu.async_copy(g_hbm.at[lsidx.at[0]], rows.at[0], sem0)
                pltpu.make_async_copy(g_hbm.at[pl.ds(0, bch)],
                                      rows.at[0], sem0).wait()
                pltpu.sync_copy(rows.at[0], acc.at[ldidx.at[0]], add=True)

        plsc.subcore_barrier()
        pltpu.sync_copy(acc.at[pl.ds(r0, rpt)],
                        out_hbm.at[cid, pl.ds(r0, rpt)])

    return k(g, src2, dst2, zslice)



def kernel(x, edge_index, W1, b1, W2, b2):
    ei = edge_index.astype(jnp.int32)
    src = ei[0]
    dst = ei[1]
    e = src.shape[0]
    src2 = src.reshape(e // 128, 128)
    dst2 = dst.reshape(e // 128, 128)

    degp = _sc_deg(dst)
    g1, dinv = _tc_mm_scale(degp, x, W1)

    z1 = jnp.zeros((N_NODES // NS, g1.shape[1]), g1.dtype)
    s1 = _sc_edge(g1, src2, dst2, z1)
    g2 = _tc_mid(s1, dinv, b1.reshape(1, -1), W2)

    z2 = jnp.zeros((N_NODES // NS, g2.shape[1]), g2.dtype)
    s2 = _sc_edge(g2, src2, dst2, z2)
    return _tc_final(s2, dinv, b2.reshape(1, -1))

# --- scband reference (transcript-rebuilt; emitter-appended) ---
"""Pipeline reference for scband-gnnmodel-30872224924177 (READ-ONLY COPY).

The authoritative reference and input builder live on the scoring server;
editing this copy changes nothing except your own understanding.
"""

import jax, jax.numpy as jnp
import numpy as np

N_NODES = 10000
N_EDGES = 320000
C_IN = 128
C_HID = 128
C_OUT = 64


def setup_inputs(seed: int = 0) -> dict:
    key = jax.random.key(seed)
    k1, k2, k3, k4, k5, k6 = jax.random.split(key, 6)
    x = jax.random.normal(k1, (N_NODES, C_IN), dtype=jnp.float32)
    edge_index = jax.random.randint(k2, (2, N_EDGES), 0, N_NODES, dtype=jnp.int64)
    # Glorot-style init for GCN linear weights (PyG lin weight is [out,in]; we store [in,out])
    s1 = (6.0 / (C_IN + C_HID)) ** 0.5
    s2 = (6.0 / (C_HID + C_OUT)) ** 0.5
    W1 = jax.random.uniform(k3, (C_IN, C_HID), jnp.float32, -s1, s1)
    b1 = jnp.zeros((C_HID,), jnp.float32)
    W2 = jax.random.uniform(k4, (C_HID, C_OUT), jnp.float32, -s2, s2)
    b2 = jnp.zeros((C_OUT,), jnp.float32)
    return {"x": x, "edge_index": edge_index, "W1": W1, "b1": b1, "W2": W2, "b2": b2}


def _gcn_conv(x, edge_index, W, b):
    # Faithful GCNConv: add self-loops, symmetric normalization, scatter-add aggregation.
    N = x.shape[0]
    h = x @ W
    src = edge_index[0]
    dst = edge_index[1]
    loop = jnp.arange(N, dtype=src.dtype)
    src = jnp.concatenate([src, loop])
    dst = jnp.concatenate([dst, loop])
    deg = jnp.zeros((N,), h.dtype).at[dst].add(1.0)
    deg_inv_sqrt = jnp.where(deg > 0, deg ** -0.5, 0.0)
    norm = deg_inv_sqrt[src] * deg_inv_sqrt[dst]
    msg = h[src] * norm[:, None]
    out = jnp.zeros((N, h.shape[1]), h.dtype).at[dst].add(msg)
    return out + b


def reference(x, edge_index, W1, b1, W2, b2):
    # Layer 1: GCNConv -> ReLU -> Dropout (identity in eval)
    h = _gcn_conv(x, edge_index, W1, b1)
    h = jax.nn.relu(h)
    # Layer 2: GCNConv
    out = _gcn_conv(h, edge_index, W2, b2)
    return out

if __name__ == "__main__":
    import jax
    _d = setup_inputs()
    print(jax.jit(kernel)(*tuple(_d.values())))

</pallas_src>

<mosaic_0001>
#map = affine_map<(d0, d1) -> (0)>
#map1 = affine_map<(d0, d1) -> (0, 0)>
module attributes {stable_mosaic.version = 14 : i64} {
  func.func @k(%arg0: i32, %arg1: i32, %arg2: memref<320000xi32, #tpu.memory_space<hbm>>, %arg3: memref<32x10000xf32, #tpu.memory_space<hbm>>, %arg4: memref<10000xf32, #tpu.memory_space<vmem>>, %arg5: memref<10000xi32, #tpu.memory_space<vmem>>) attributes {dimension_semantics = [#tpu.dimension_semantics<core_parallel>, #tpu.dimension_semantics<subcore_parallel>], iteration_bounds = array<i64: 2, 16>, scalar_prefetch = 0 : i64, scratch_operands = 2 : i64, tpu.core_type = #tpu.core_type<sc_vector_subcore>, window_params = [{transform_indices = #map}, {transform_indices = #map1}]} {
    %mul3A = arith.constant 2 : i32
    %mul3A_0 = arith.muli %arg1, %mul3A : i32
    %add3A = arith.addi %mul3A_0, %arg0 : i32
    %scan3A = arith.constant 0 : i32
    %scan3A_1 = arith.constant 0 : i32
    %scan3A_2 = arith.constant 625 : i32
    %scan3A_3 = arith.addi %scan3A_1, %scan3A_2 : i32
    %scan3A_4 = arith.constant 1 : i32
    scf.for %scan3A_15 = %scan3A_1 to %scan3A_3 step %scan3A_4  : i32 {
      %broadcast_in_dim3A_16 = arith.constant 0.000000e+00 : f32
      %broadcast_in_dim3A_17 = vector.broadcast %broadcast_in_dim3A_16 : f32 to vector<16xf32>
      %mul3A_18 = arith.constant 16 : i32
      %mul3A_19 = arith.muli %scan3A_15, %mul3A_18 : i32
      %swap3A = arith.index_cast %mul3A_19 : i32 to index
      %swap3A_20 = tpu.vector_load %arg4[%swap3A] {strides = array<i32>} : memref<10000xf32, #tpu.memory_space<vmem>>, vector<16xf32>,
      tpu.vector_store %arg4[%swap3A], %broadcast_in_dim3A_17 {strides = array<i32>} : memref<10000xf32, #tpu.memory_space<vmem>>, vector<16xf32>,
    }
    %scan3A_5 = arith.constant 625 : i32
    %mul3A_6 = arith.constant 10000 : i32
    %mul3A_7 = arith.muli %add3A, %mul3A_6 : i32
    "tpu.region"() ({
      %run_scoped3A = tpu.sem_alloc : memref<!tpu.dma_semaphore, #tpu.memory_space<semaphore_mem>>
      %dma_start3A = tpu.memref_slice %arg2[%mul3A_7] : memref<320000xi32, #tpu.memory_space<hbm>> -> memref<10000xi32, #tpu.memory_space<hbm>>
      %dma_start3A_15 = tpu.memref_slice %arg2[%mul3A_7] : memref<320000xi32, #tpu.memory_space<hbm>> -> memref<10000xi32, #tpu.memory_space<hbm>>
      tpu.enqueue_dma source(%dma_start3A_15 : memref<10000xi32, #tpu.memory_space<hbm>>) target(%arg5 : memref<10000xi32, #tpu.memory_space<vmem>>) target_semaphore(%run_scoped3A : memref<!tpu.dma_semaphore, #tpu.memory_space<semaphore_mem>>)
      %dma_wait3A = tpu.memref_slice %arg2[%mul3A_7] : memref<320000xi32, #tpu.memory_space<hbm>> -> memref<10000xi32, #tpu.memory_space<hbm>>
      %dma_wait3A_16 = tpu.memref_slice %arg2[%mul3A_7] : memref<320000xi32, #tpu.memory_space<hbm>> -> memref<10000xi32, #tpu.memory_space<hbm>>
      tpu.wait_dma2 semaphore(%run_scoped3A : memref<!tpu.dma_semaphore, #tpu.memory_space<semaphore_mem>>) src(%dma_wait3A_16 : memref<10000xi32, #tpu.memory_space<hbm>>) dst(%arg5 : memref<10000xi32, #tpu.memory_space<vmem>>)
      tpu.yield
    }) : () -> ()
    %broadcast_in_dim3A = arith.constant 1.000000e+00 : f32
    %broadcast_in_dim3A_8 = vector.broadcast %broadcast_in_dim3A : f32 to vector<16xf32>
    %scan3A_9 = arith.constant 0 : i32
    %scan3A_10 = arith.constant 0 : i32
    %scan3A_11 = arith.constant 625 : i32
    %scan3A_12 = arith.addi %scan3A_10, %scan3A_11 : i32
    %scan3A_13 = arith.constant 1 : i32
    scf.for %scan3A_15 = %scan3A_10 to %scan3A_12 step %scan3A_13  : i32 {
      %mul3A_16 = arith.constant 16 : i32
      %mul3A_17 = arith.muli %scan3A_15, %mul3A_16 : i32
      %get3A = arith.index_cast %mul3A_17 : i32 to index
      %get3A_18 = tpu.vector_load %arg5[%get3A] {strides = array<i32>} : memref<10000xi32, #tpu.memory_space<vmem>>, vector<16xi32>,
      tpu.vector_store_idx %arg4[%get3A_18], %broadcast_in_dim3A_8 {add = true} : memref<10000xf32, #tpu.memory_space<vmem>>[vector<16xi32>], vector<16xf32>,
    }
    %scan3A_14 = arith.constant 625 : i32
    "tpu.region"() ({
      %run_scoped3A = tpu.sem_alloc : memref<!tpu.dma_semaphore, #tpu.memory_space<semaphore_mem>>
      %dma_start3A = arith.constant 0 : i32
      %dma_start3A_15 = tpu.memref_slice %arg3[%add3A, %dma_start3A] : memref<32x10000xf32, #tpu.memory_space<hbm>> -> memref<1x10000xf32, #tpu.memory_space<hbm>>
      %dma_start3A_16 = tpu.memref_squeeze %dma_start3A_15 : memref<1x10000xf32, #tpu.memory_space<hbm>> -> memref<10000xf32, #tpu.memory_space<hbm>>
      %dma_start3A_17 = arith.constant 0 : i32
      %dma_start3A_18 = tpu.memref_slice %arg3[%add3A, %dma_start3A_17] : memref<32x10000xf32, #tpu.memory_space<hbm>> -> memref<1x10000xf32, #tpu.memory_space<hbm>>
      %dma_start3A_19 = tpu.memref_squeeze %dma_start3A_18 : memref<1x10000xf32, #tpu.memory_space<hbm>> -> memref<10000xf32, #tpu.memory_space<hbm>>
      tpu.enqueue_dma source(%arg4 : memref<10000xf32, #tpu.memory_space<vmem>>) target(%dma_start3A_19 : memref<10000xf32, #tpu.memory_space<hbm>>) target_semaphore(%run_scoped3A : memref<!tpu.dma_semaphore, #tpu.memory_space<semaphore_mem>>)
      %dma_wait3A = arith.constant 0 : i32
      %dma_wait3A_20 = tpu.memref_slice %arg3[%add3A, %dma_wait3A] : memref<32x10000xf32, #tpu.memory_space<hbm>> -> memref<1x10000xf32, #tpu.memory_space<hbm>>
      %dma_wait3A_21 = tpu.memref_squeeze %dma_wait3A_20 : memref<1x10000xf32, #tpu.memory_space<hbm>> -> memref<10000xf32, #tpu.memory_space<hbm>>
      %dma_wait3A_22 = arith.constant 0 : i32
      %dma_wait3A_23 = tpu.memref_slice %arg3[%add3A, %dma_wait3A_22] : memref<32x10000xf32, #tpu.memory_space<hbm>> -> memref<1x10000xf32, #tpu.memory_space<hbm>>
      %dma_wait3A_24 = tpu.memref_squeeze %dma_wait3A_23 : memref<1x10000xf32, #tpu.memory_space<hbm>> -> memref<10000xf32, #tpu.memory_space<hbm>>
      tpu.wait_dma2 semaphore(%run_scoped3A : memref<!tpu.dma_semaphore, #tpu.memory_space<semaphore_mem>>) src(%arg4 : memref<10000xf32, #tpu.memory_space<vmem>>) dst(%dma_wait3A_24 : memref<10000xf32, #tpu.memory_space<hbm>>)
      tpu.yield
    }) : () -> ()
    return
  }
}

#map = affine_map<(d0, d1) -> (0, 0)>
#map1 = affine_map<(d0, d1) -> (0, 0, 0)>
module attributes {stable_mosaic.version = 14 : i64} {
  func.func @k(%arg0: i32, %arg1: i32, %arg2: memref<10000x64xbf16, #tpu.memory_space<hbm>>, %arg3: memref<2500x128xi32, #tpu.memory_space<hbm>>, %arg4: memref<2500x128xi32, #tpu.memory_space<hbm>>, %arg5: memref<625x64xbf16, #tpu.memory_space<hbm>>, %arg6: memref<2x10000x64xbf16, #tpu.memory_space<hbm>>, %arg7: memref<10000x64xbf16, #tpu.memory_space<vmem_shared>>, %arg8: memref<78x128xi32, #tpu.memory_space<vmem>>, %arg9: memref<78x128xi32, #tpu.memory_space<vmem>>, %arg10: memref<2x128x64xbf16, #tpu.memory_space<vmem>>, %arg11: memref<1x128xi32, #tpu.memory_space<vmem>>, %arg12: memref<1x128xi32, #tpu.memory_space<vmem>>, %arg13: memref<!tpu.dma_semaphore, #tpu.memory_space<semaphore_mem>>, %arg14: memref<!tpu.dma_semaphore, #tpu.memory_space<semaphore_mem>>) attributes {dimension_semantics = [#tpu.dimension_semantics<core_parallel>, #tpu.dimension_semantics<subcore_parallel>], iteration_bounds = array<i64: 2, 16>, scalar_prefetch = 0 : i64, scratch_operands = 8 : i64, tpu.core_type = #tpu.core_type<sc_vector_subcore>, window_params = [{transform_indices = #map}, {transform_indices = #map}, {transform_indices = #map}, {transform_indices = #map}, {transform_indices = #map1}]} {
    %mul3A = arith.constant 16 : i32
    %mul3A_0 = arith.muli %arg0, %mul3A : i32
    %add3A = arith.addi %mul3A_0, %arg1 : i32
    %mul3A_1 = arith.constant 625 : i32
    %mul3A_2 = arith.muli %arg1, %mul3A_1 : i32
    %eq3A = arith.constant 0 : i32
    %eq3A_3 = arith.cmpi eq, %arg0, %eq3A : i32
    %convert_element_type3A = arith.extui %eq3A_3 : i1 to i32
    %cond3A = arith.constant 0 : i32
    %cond3A_4 = arith.cmpi ne, %convert_element_type3A, %cond3A : i32
    scf.if %cond3A_4 {
      "tpu.region"() ({
        %run_scoped3A = tpu.sem_alloc : memref<!tpu.dma_semaphore, #tpu.memory_space<semaphore_mem>>
        %dma_start3A_44 = arith.constant 0 : i32
        %dma_start3A_45 = tpu.memref_slice %arg7[%mul3A_2, %dma_start3A_44] : memref<10000x64xbf16, #tpu.memory_space<vmem_shared>> -> memref<625x64xbf16, #tpu.memory_space<vmem_shared>>
        %dma_start3A_46 = arith.constant 0 : i32
        %dma_start3A_47 = tpu.memref_slice %arg2[%mul3A_2, %dma_start3A_46] : memref<10000x64xbf16, #tpu.memory_space<hbm>> -> memref<625x64xbf16, #tpu.memory_space<hbm>>
        tpu.enqueue_dma source(%dma_start3A_47 : memref<625x64xbf16, #tpu.memory_space<hbm>>) target(%dma_start3A_45 : memref<625x64xbf16, #tpu.memory_space<vmem_shared>>) target_semaphore(%run_scoped3A : memref<!tpu.dma_semaphore, #tpu.memory_space<semaphore_mem>>)
        %dma_wait3A = arith.constant 0 : i32
        %dma_wait3A_48 = tpu.memref_slice %arg7[%mul3A_2, %dma_wait3A] : memref<10000x64xbf16, #tpu.memory_space<vmem_shared>> -> memref<625x64xbf16, #tpu.memory_space<vmem_shared>>
        %dma_wait3A_49 = arith.constant 0 : i32
        %dma_wait3A_50 = tpu.memref_slice %arg2[%mul3A_2, %dma_wait3A_49] : memref<10000x64xbf16, #tpu.memory_space<hbm>> -> memref<625x64xbf16, #tpu.memory_space<hbm>>
        tpu.wait_dma2 semaphore(%run_scoped3A : memref<!tpu.dma_semaphore, #tpu.memory_space<semaphore_mem>>) src(%dma_wait3A_50 : memref<625x64xbf16, #tpu.memory_space<hbm>>) dst(%dma_wait3A_48 : memref<625x64xbf16, #tpu.memory_space<vmem_shared>>)
        tpu.yield
      }) : () -> ()
    } else {
    }
    %ne3A = arith.constant 0 : i32
    %ne3A_5 = arith.cmpi ne, %arg0, %ne3A : i32
    %convert_element_type3A_6 = arith.extui %ne3A_5 : i1 to i32
    %cond3A_7 = arith.constant 0 : i32
    %cond3A_8 = arith.cmpi ne, %convert_element_type3A_6, %cond3A_7 : i32
    scf.if %cond3A_8 {
      "tpu.region"() ({
        %run_scoped3A = tpu.sem_alloc : memref<!tpu.dma_semaphore, #tpu.memory_space<semaphore_mem>>
        %dma_start3A_44 = arith.constant 0 : i32
        %dma_start3A_45 = tpu.memref_slice %arg7[%mul3A_2, %dma_start3A_44] : memref<10000x64xbf16, #tpu.memory_space<vmem_shared>> -> memref<625x64xbf16, #tpu.memory_space<vmem_shared>>
        tpu.enqueue_dma source(%arg5 : memref<625x64xbf16, #tpu.memory_space<hbm>>) target(%dma_start3A_45 : memref<625x64xbf16, #tpu.memory_space<vmem_shared>>) target_semaphore(%run_scoped3A : memref<!tpu.dma_semaphore, #tpu.memory_space<semaphore_mem>>)
        %dma_wait3A = arith.constant 0 : i32
        %dma_wait3A_46 = tpu.memref_slice %arg7[%mul3A_2, %dma_wait3A] : memref<10000x64xbf16, #tpu.memory_space<vmem_shared>> -> memref<625x64xbf16, #tpu.memory_space<vmem_shared>>
        tpu.wait_dma2 semaphore(%run_scoped3A : memref<!tpu.dma_semaphore, #tpu.memory_space<semaphore_mem>>) src(%arg5 : memref<625x64xbf16, #tpu.memory_space<hbm>>) dst(%dma_wait3A_46 : memref<625x64xbf16, #tpu.memory_space<vmem_shared>>)
        tpu.yield
      }) : () -> ()
    } else {
    }
    %barrier3A = arith.constant 0 : index
    tpu.barrier barrier_id(%barrier3A)
    %mul3A_9 = arith.constant 78 : i32
    %mul3A_10 = arith.muli %add3A, %mul3A_9 : i32
    "tpu.region"() ({
      %run_scoped3A = tpu.sem_alloc : memref<!tpu.dma_semaphore, #tpu.memory_space<semaphore_mem>>
      %dma_start3A_44 = arith.constant 0 : i32
      %dma_start3A_45 = arith.constant 0 : i32
      %dma_start3A_46 = tpu.memref_slice %arg8[%dma_start3A_44, %dma_start3A_45] : memref<78x128xi32, #tpu.memory_space<vmem>> -> memref<78x128xi32, #tpu.memory_space<vmem>>
      %dma_start3A_47 = arith.constant 0 : i32
      %dma_start3A_48 = tpu.memref_slice %arg3[%mul3A_10, %dma_start3A_47] : memref<2500x128xi32, #tpu.memory_space<hbm>> -> memref<78x128xi32, #tpu.memory_space<hbm>>
      %dma_start3A_49 = arith.constant 0 : i32
      %dma_start3A_50 = arith.constant 0 : i32
      %dma_start3A_51 = tpu.memref_slice %arg8[%dma_start3A_49, %dma_start3A_50] : memref<78x128xi32, #tpu.memory_space<vmem>> -> memref<78x128xi32, #tpu.memory_space<vmem>>
      %dma_start3A_52 = arith.constant 0 : i32
      %dma_start3A_53 = tpu.memref_slice %arg3[%mul3A_10, %dma_start3A_52] : memref<2500x128xi32, #tpu.memory_space<hbm>> -> memref<78x128xi32, #tpu.memory_space<hbm>>
      tpu.enqueue_dma source(%dma_start3A_53 : memref<78x128xi32, #tpu.memory_space<hbm>>) target(%dma_start3A_51 : memref<78x128xi32, #tpu.memory_space<vmem>>) target_semaphore(%run_scoped3A : memref<!tpu.dma_semaphore, #tpu.memory_space<semaphore_mem>>)
      %dma_wait3A = arith.constant 0 : i32
      %dma_wait3A_54 = arith.constant 0 : i32
      %dma_wait3A_55 = tpu.memref_slice %arg8[%dma_wait3A, %dma_wait3A_54] : memref<78x128xi32, #tpu.memory_space<vmem>> -> memref<78x128xi32, #tpu.memory_space<vmem>>
      %dma_wait3A_56 = arith.constant 0 : i32
      %dma_wait3A_57 = tpu.memref_slice %arg3[%mul3A_10, %dma_wait3A_56] : memref<2500x128xi32, #tpu.memory_space<hbm>> -> memref<78x128xi32, #tpu.memory_space<hbm>>
      %dma_wait3A_58 = arith.constant 0 : i32
      %dma_wait3A_59 = arith.constant 0 : i32
      %dma_wait3A_60 = tpu.memref_slice %arg8[%dma_wait3A_58, %dma_wait3A_59] : memref<78x128xi32, #tpu.memory_space<vmem>> -> memref<78x128xi32, #tpu.memory_space<vmem>>
      %dma_wait3A_61 = arith.constant 0 : i32
      %dma_wait3A_62 = tpu.memref_slice %arg3[%mul3A_10, %dma_wait3A_61] : memref<2500x128xi32, #tpu.memory_space<hbm>> -> memref<78x128xi32, #tpu.memory_space<hbm>>
      tpu.wait_dma2 semaphore(%run_scoped3A : memref<!tpu.dma_semaphore, #tpu.memory_space<semaphore_mem>>) src(%dma_wait3A_62 : memref<78x128xi32, #tpu.memory_space<hbm>>) dst(%dma_wait3A_60 : memref<78x128xi32, #tpu.memory_space<vmem>>)
      tpu.yield
    }) : () -> ()
    "tpu.region"() ({
      %run_scoped3A = tpu.sem_alloc : memref<!tpu.dma_semaphore, #tpu.memory_space<semaphore_mem>>
      %dma_start3A_44 = arith.constant 0 : i32
      %dma_start3A_45 = arith.constant 0 : i32
      %dma_start3A_46 = tpu.memref_slice %arg9[%dma_start3A_44, %dma_start3A_45] : memref<78x128xi32, #tpu.memory_space<vmem>> -> memref<78x128xi32, #tpu.memory_space<vmem>>
      %dma_start3A_47 = arith.constant 0 : i32
      %dma_start3A_48 = tpu.memref_slice %arg4[%mul3A_10, %dma_start3A_47] : memref<2500x128xi32, #tpu.memory_space<hbm>> -> memref<78x128xi32, #tpu.memory_space<hbm>>
      %dma_start3A_49 = arith.constant 0 : i32
      %dma_start3A_50 = arith.constant 0 : i32
      %dma_start3A_51 = tpu.memref_slice %arg9[%dma_start3A_49, %dma_start3A_50] : memref<78x128xi32, #tpu.memory_space<vmem>> -> memref<78x128xi32, #tpu.memory_space<vmem>>
      %dma_start3A_52 = arith.constant 0 : i32
      %dma_start3A_53 = tpu.memref_slice %arg4[%mul3A_10, %dma_start3A_52] : memref<2500x128xi32, #tpu.memory_space<hbm>> -> memref<78x128xi32, #tpu.memory_space<hbm>>
      tpu.enqueue_dma source(%dma_start3A_53 : memref<78x128xi32, #tpu.memory_space<hbm>>) target(%dma_start3A_51 : memref<78x128xi32, #tpu.memory_space<vmem>>) target_semaphore(%run_scoped3A : memref<!tpu.dma_semaphore, #tpu.memory_space<semaphore_mem>>)
      %dma_wait3A = arith.constant 0 : i32
      %dma_wait3A_54 = arith.constant 0 : i32
      %dma_wait3A_55 = tpu.memref_slice %arg9[%dma_wait3A, %dma_wait3A_54] : memref<78x128xi32, #tpu.memory_space<vmem>> -> memref<78x128xi32, #tpu.memory_space<vmem>>
      %dma_wait3A_56 = arith.constant 0 : i32
      %dma_wait3A_57 = tpu.memref_slice %arg4[%mul3A_10, %dma_wait3A_56] : memref<2500x128xi32, #tpu.memory_space<hbm>> -> memref<78x128xi32, #tpu.memory_space<hbm>>
      %dma_wait3A_58 = arith.constant 0 : i32
      %dma_wait3A_59 = arith.constant 0 : i32
      %dma_wait3A_60 = tpu.memref_slice %arg9[%dma_wait3A_58, %dma_wait3A_59] : memref<78x128xi32, #tpu.memory_space<vmem>> -> memref<78x128xi32, #tpu.memory_space<vmem>>
      %dma_wait3A_61 = arith.constant 0 : i32
      %dma_wait3A_62 = tpu.memref_slice %arg4[%mul3A_10, %dma_wait3A_61] : memref<2500x128xi32, #tpu.memory_space<hbm>> -> memref<78x128xi32, #tpu.memory_space<hbm>>
      tpu.wait_dma2 semaphore(%run_scoped3A : memref<!tpu.dma_semaphore, #tpu.memory_space<semaphore_mem>>) src(%dma_wait3A_62 : memref<78x128xi32, #tpu.memory_space<hbm>>) dst(%dma_wait3A_60 : memref<78x128xi32, #tpu.memory_space<vmem>>)
      tpu.yield
    }) : () -> ()
    %dma_start3A = arith.constant 0 : i32
    %dma_start3A_11 = arith.constant 0 : i32
    %dma_start3A_12 = arith.constant 0 : i32
    %dma_start3A_13 = arith.constant 0 : i32
    %dma_start3A_14 = tpu.memref_slice %arg10[%dma_start3A_11, %dma_start3A_12, %dma_start3A_13] : memref<2x128x64xbf16, #tpu.memory_space<vmem>> -> memref<1x128x64xbf16, #tpu.memory_space<vmem>>
    %dma_start3A_15 = tpu.memref_squeeze %dma_start3A_14 : memref<1x128x64xbf16, #tpu.memory_space<vmem>> -> memref<128x64xbf16, #tpu.memory_space<vmem>>
    %dma_start3A_16 = arith.constant 0 : i32
    %dma_start3A_17 = tpu.memref_slice %arg8[%dma_start3A, %dma_start3A_16] : memref<78x128xi32, #tpu.memory_space<vmem>> -> memref<1x128xi32, #tpu.memory_space<vmem>>
    %dma_start3A_18 = tpu.memref_squeeze %dma_start3A_17 : memref<1x128xi32, #tpu.memory_space<vmem>> -> memref<128xi32, #tpu.memory_space<vmem>>
    %dma_start3A_19 = arith.constant 0 : i32
    %dma_start3A_20 = arith.constant 0 : i32
    %dma_start3A_21 = tpu.memref_slice %arg2[%dma_start3A_19, %dma_start3A_20] : memref<10000x64xbf16, #tpu.memory_space<hbm>> -> memref<10000x64xbf16, #tpu.memory_space<hbm>>
    tpu.enqueue_indirect_dma source(%dma_start3A_21 : memref<10000x64xbf16, #tpu.memory_space<hbm>>) target(%dma_start3A_15 : memref<128x64xbf16, #tpu.memory_space<vmem>>) offsets(%dma_start3A_18 : memref<128xi32, #tpu.memory_space<vmem>>) semaphore(%arg13 : memref<!tpu.dma_semaphore, #tpu.memory_space<semaphore_mem>>)
    %dma_start3A_22 = arith.constant 1 : i32
    %dma_start3A_23 = arith.constant 1 : i32
    %dma_start3A_24 = arith.constant 0 : i32
    %dma_start3A_25 = arith.constant 0 : i32
    %dma_start3A_26 = tpu.memref_slice %arg10[%dma_start3A_23, %dma_start3A_24, %dma_start3A_25] : memref<2x128x64xbf16, #tpu.memory_space<vmem>> -> memref<1x128x64xbf16, #tpu.memory_space<vmem>>
    %dma_start3A_27 = tpu.memref_squeeze %dma_start3A_26 : memref<1x128x64xbf16, #tpu.memory_space<vmem>> -> memref<128x64xbf16, #tpu.memory_space<vmem>>
    %dma_start3A_28 = arith.constant 0 : i32
    %dma_start3A_29 = tpu.memref_slice %arg8[%dma_start3A_22, %dma_start3A_28] : memref<78x128xi32, #tpu.memory_space<vmem>> -> memref<1x128xi32, #tpu.memory_space<vmem>>
    %dma_start3A_30 = tpu.memref_squeeze %dma_start3A_29 : memref<1x128xi32, #tpu.memory_space<vmem>> -> memref<128xi32, #tpu.memory_space<vmem>>
    %dma_start3A_31 = arith.constant 0 : i32
    %dma_start3A_32 = arith.constant 0 : i32
    %dma_start3A_33 = tpu.memref_slice %arg2[%dma_start3A_31, %dma_start3A_32] : memref<10000x64xbf16, #tpu.memory_space<hbm>> -> memref<10000x64xbf16, #tpu.memory_space<hbm>>
    tpu.enqueue_indirect_dma source(%dma_start3A_33 : memref<10000x64xbf16, #tpu.memory_space<hbm>>) target(%dma_start3A_27 : memref<128x64xbf16, #tpu.memory_space<vmem>>) offsets(%dma_start3A_30 : memref<128xi32, #tpu.memory_space<vmem>>) semaphore(%arg14 : memref<!tpu.dma_semaphore, #tpu.memory_space<semaphore_mem>>)
    %scan3A = arith.constant 0 : i32
    %scan3A_34 = arith.constant 0 : i32
    %scan3A_35 = arith.constant 39 : i32
    %scan3A_36 = arith.addi %scan3A_34, %scan3A_35 : i32
    %scan3A_37 = arith.constant 1 : i32
    scf.for %scan3A_44 = %scan3A_34 to %scan3A_36 step %scan3A_37  : i32 {
      %mul3A_45 = arith.constant 2 : i32
      %mul3A_46 = arith.muli %mul3A_45, %scan3A_44 : i32
      %add3A_47 = arith.constant 1 : i32
      %add3A_48 = arith.addi %mul3A_46, %add3A_47 : i32
      %dma_wait3A = arith.constant 0 : i32
      %dma_wait3A_49 = arith.constant 0 : i32
      %dma_wait3A_50 = arith.constant 0 : i32
      %dma_wait3A_51 = tpu.memref_slice %arg10[%dma_wait3A, %dma_wait3A_49, %dma_wait3A_50] : memref<2x128x64xbf16, #tpu.memory_space<vmem>> -> memref<1x128x64xbf16, #tpu.memory_space<vmem>>
      %dma_wait3A_52 = tpu.memref_squeeze %dma_wait3A_51 : memref<1x128x64xbf16, #tpu.memory_space<vmem>> -> memref<128x64xbf16, #tpu.memory_space<vmem>>
      %dma_wait3A_53 = arith.constant 0 : i32
      %dma_wait3A_54 = arith.constant 0 : i32
      %dma_wait3A_55 = tpu.memref_slice %arg2[%dma_wait3A_53, %dma_wait3A_54] : memref<10000x64xbf16, #tpu.memory_space<hbm>> -> memref<128x64xbf16, #tpu.memory_space<hbm>>
      %dma_wait3A_56 = arith.constant 0 : i32
      %dma_wait3A_57 = arith.constant 0 : i32
      %dma_wait3A_58 = tpu.memref_slice %arg10[%dma_wait3A, %dma_wait3A_56, %dma_wait3A_57] : memref<2x128x64xbf16, #tpu.memory_space<vmem>> -> memref<1x128x64xbf16, #tpu.memory_space<vmem>>
      %dma_wait3A_59 = tpu.memref_squeeze %dma_wait3A_58 : memref<1x128x64xbf16, #tpu.memory_space<vmem>> -> memref<128x64xbf16, #tpu.memory_space<vmem>>
      %dma_wait3A_60 = arith.constant 0 : i32
      %dma_wait3A_61 = arith.constant 0 : i32
      %dma_wait3A_62 = tpu.memref_slice %arg2[%dma_wait3A_60, %dma_wait3A_61] : memref<10000x64xbf16, #tpu.memory_space<hbm>> -> memref<128x64xbf16, #tpu.memory_space<hbm>>
      tpu.wait_dma2 semaphore(%arg13 : memref<!tpu.dma_semaphore, #tpu.memory_space<semaphore_mem>>) src(%dma_wait3A_62 : memref<128x64xbf16, #tpu.memory_space<hbm>>) dst(%dma_wait3A_59 : memref<128x64xbf16, #tpu.memory_space<vmem>>)
      %run_scoped3A = arith.constant 0 : i32
      "tpu.region"() ({
        %run_scoped3A_93 = tpu.sem_alloc : memref<!tpu.dma_semaphore, #tpu.memory_space<semaphore_mem>>
        %dma_start3A_94 = arith.constant 0 : i32
        %dma_start3A_95 = arith.constant 0 : i32
        %dma_start3A_96 = tpu.memref_slice %arg10[%run_scoped3A, %dma_start3A_94, %dma_start3A_95] : memref<2x128x64xbf16, #tpu.memory_space<vmem>> -> memref<1x128x64xbf16, #tpu.memory_space<vmem>>
        %dma_start3A_97 = tpu.memref_squeeze %dma_start3A_96 : memref<1x128x64xbf16, #tpu.memory_space<vmem>> -> memref<128x64xbf16, #tpu.memory_space<vmem>>
        %dma_start3A_98 = arith.constant 0 : i32
        %dma_start3A_99 = tpu.memref_slice %arg9[%mul3A_46, %dma_start3A_98] : memref<78x128xi32, #tpu.memory_space<vmem>> -> memref<1x128xi32, #tpu.memory_space<vmem>>
        %dma_start3A_100 = tpu.memref_squeeze %dma_start3A_99 : memref<1x128xi32, #tpu.memory_space<vmem>> -> memref<128xi32, #tpu.memory_space<vmem>>
        %dma_start3A_101 = arith.constant 0 : i32
        %dma_start3A_102 = arith.constant 0 : i32
        %dma_start3A_103 = tpu.memref_slice %arg7[%dma_start3A_101, %dma_start3A_102] : memref<10000x64xbf16, #tpu.memory_space<vmem_shared>> -> memref<10000x64xbf16, #tpu.memory_space<vmem_shared>>
        tpu.enqueue_indirect_dma source(%dma_start3A_97 : memref<128x64xbf16, #tpu.memory_space<vmem>>) target(%dma_start3A_103 : memref<10000x64xbf16, #tpu.memory_space<vmem_shared>>) offsets(%dma_start3A_100 : memref<128xi32, #tpu.memory_space<vmem>>) semaphore(%run_scoped3A_93 : memref<!tpu.dma_semaphore, #tpu.memory_space<semaphore_mem>>) {add = true}
        %dma_wait3A_104 = arith.constant 0 : i32
        %dma_wait3A_105 = arith.constant 0 : i32
        %dma_wait3A_106 = tpu.memref_slice %arg10[%run_scoped3A, %dma_wait3A_104, %dma_wait3A_105] : memref<2x128x64xbf16, #tpu.memory_space<vmem>> -> memref<1x128x64xbf16, #tpu.memory_space<vmem>>
        %dma_wait3A_107 = tpu.memref_squeeze %dma_wait3A_106 : memref<1x128x64xbf16, #tpu.memory_space<vmem>> -> memref<128x64xbf16, #tpu.memory_space<vmem>>
        %dma_wait3A_108 = arith.constant 0 : i32
        %dma_wait3A_109 = tpu.memref_slice %arg9[%mul3A_46, %dma_wait3A_108] : memref<78x128xi32, #tpu.memory_space<vmem>> -> memref<1x128xi32, #tpu.memory_space<vmem>>
        %dma_wait3A_110 = tpu.memref_squeeze %dma_wait3A_109 : memref<1x128xi32, #tpu.memory_space<vmem>> -> memref<128xi32, #tpu.memory_space<vmem>>
        %dma_wait3A_111 = arith.constant 0 : i32
        %dma_wait3A_112 = arith.constant 0 : i32
        %dma_wait3A_113 = tpu.memref_slice %arg7[%dma_wait3A_111, %dma_wait3A_112] : memref<10000x64xbf16, #tpu.memory_space<vmem_shared>> -> memref<10000x64xbf16, #tpu.memory_space<vmem_shared>>
        tpu.wait_indirect_dma semaphore(%run_scoped3A_93 : memref<!tpu.dma_semaphore, #tpu.memory_space<semaphore_mem>>) src(%dma_wait3A_107 : memref<128x64xbf16, #tpu.memory_space<vmem>>) dst(%dma_wait3A_113 : memref<10000x64xbf16, #tpu.memory_space<vmem_shared>>)
        tpu.yield
      }) : () -> ()
      %add3A_63 = arith.constant 2 : i32
      %add3A_64 = arith.addi %mul3A_46, %add3A_63 : i32
      %lt3A_65 = arith.constant 78 : i32
      %lt3A_66 = arith.cmpi slt, %add3A_64, %lt3A_65 : i32
      %convert_element_type3A_67 = arith.extui %lt3A_66 : i1 to i32
      %cond3A_68 = arith.constant 0 : i32
      %cond3A_69 = arith.cmpi ne, %convert_element_type3A_67, %cond3A_68 : i32
      scf.if %cond3A_69 {
        %add3A_93 = arith.constant 2 : i32
        %add3A_94 = arith.addi %mul3A_46, %add3A_93 : i32
        %dma_start3A_95 = arith.constant 0 : i32
        %dma_start3A_96 = arith.constant 0 : i32
        %dma_start3A_97 = arith.constant 0 : i32
        %dma_start3A_98 = tpu.memref_slice %arg10[%dma_start3A_95, %dma_start3A_96, %dma_start3A_97] : memref<2x128x64xbf16, #tpu.memory_space<vmem>> -> memref<1x128x64xbf16, #tpu.memory_space<vmem>>
        %dma_start3A_99 = tpu.memref_squeeze %dma_start3A_98 : memref<1x128x64xbf16, #tpu.memory_space<vmem>> -> memref<128x64xbf16, #tpu.memory_space<vmem>>
        %dma_start3A_100 = arith.constant 0 : i32
        %dma_start3A_101 = tpu.memref_slice %arg8[%add3A_94, %dma_start3A_100] : memref<78x128xi32, #tpu.memory_space<vmem>> -> memref<1x128xi32, #tpu.memory_space<vmem>>
        %dma_start3A_102 = tpu.memref_squeeze %dma_start3A_101 : memref<1x128xi32, #tpu.memory_space<vmem>> -> memref<128xi32, #tpu.memory_space<vmem>>
        %dma_start3A_103 = arith.constant 0 : i32
        %dma_start3A_104 = arith.constant 0 : i32
        %dma_start3A_105 = tpu.memref_slice %arg2[%dma_start3A_103, %dma_start3A_104] : memref<10000x64xbf16, #tpu.memory_space<hbm>> -> memref<10000x64xbf16, #tpu.memory_space<hbm>>
        tpu.enqueue_indirect_dma source(%dma_start3A_105 : memref<10000x64xbf16, #tpu.memory_space<hbm>>) target(%dma_start3A_99 : memref<128x64xbf16, #tpu.memory_space<vmem>>) offsets(%dma_start3A_102 : memref<128xi32, #tpu.memory_space<vmem>>) semaphore(%arg13 : memref<!tpu.dma_semaphore, #tpu.memory_space<semaphore_mem>>)
      } else {
      }
      %dma_wait3A_70 = arith.constant 1 : i32
      %dma_wait3A_71 = arith.constant 0 : i32
      %dma_wait3A_72 = arith.constant 0 : i32
      %dma_wait3A_73 = tpu.memref_slice %arg10[%dma_wait3A_70, %dma_wait3A_71, %dma_wait3A_72] : memref<2x128x64xbf16, #tpu.memory_space<vmem>> -> memref<1x128x64xbf16, #tpu.memory_space<vmem>>
      %dma_wait3A_74 = tpu.memref_squeeze %dma_wait3A_73 : memref<1x128x64xbf16, #tpu.memory_space<vmem>> -> memref<128x64xbf16, #tpu.memory_space<vmem>>
      %dma_wait3A_75 = arith.constant 0 : i32
      %dma_wait3A_76 = arith.constant 0 : i32
      %dma_wait3A_77 = tpu.memref_slice %arg2[%dma_wait3A_75, %dma_wait3A_76] : memref<10000x64xbf16, #tpu.memory_space<hbm>> -> memref<128x64xbf16, #tpu.memory_space<hbm>>
      %dma_wait3A_78 = arith.constant 0 : i32
      %dma_wait3A_79 = arith.constant 0 : i32
      %dma_wait3A_80 = tpu.memref_slice %arg10[%dma_wait3A_70, %dma_wait3A_78, %dma_wait3A_79] : memref<2x128x64xbf16, #tpu.memory_space<vmem>> -> memref<1x128x64xbf16, #tpu.memory_space<vmem>>
      %dma_wait3A_81 = tpu.memref_squeeze %dma_wait3A_80 : memref<1x128x64xbf16, #tpu.memory_space<vmem>> -> memref<128x64xbf16, #tpu.memory_space<vmem>>
      %dma_wait3A_82 = arith.constant 0 : i32
      %dma_wait3A_83 = arith.constant 0 : i32
      %dma_wait3A_84 = tpu.memref_slice %arg2[%dma_wait3A_82, %dma_wait3A_83] : memref<10000x64xbf16, #tpu.memory_space<hbm>> -> memref<128x64xbf16, #tpu.memory_space<hbm>>
      tpu.wait_dma2 semaphore(%arg14 : memref<!tpu.dma_semaphore, #tpu.memory_space<semaphore_mem>>) src(%dma_wait3A_84 : memref<128x64xbf16, #tpu.memory_space<hbm>>) dst(%dma_wait3A_81 : memref<128x64xbf16, #tpu.memory_space<vmem>>)
      %run_scoped3A_85 = arith.constant 1 : i32
      "tpu.region"() ({
        %run_scoped3A_93 = tpu.sem_alloc : memref<!tpu.dma_semaphore, #tpu.memory_space<semaphore_mem>>
        %dma_start3A_94 = arith.constant 0 : i32
        %dma_start3A_95 = arith.constant 0 : i32
        %dma_start3A_96 = tpu.memref_slice %arg10[%run_scoped3A_85, %dma_start3A_94, %dma_start3A_95] : memref<2x128x64xbf16, #tpu.memory_space<vmem>> -> memref<1x128x64xbf16, #tpu.memory_space<vmem>>
        %dma_start3A_97 = tpu.memref_squeeze %dma_start3A_96 : memref<1x128x64xbf16, #tpu.memory_space<vmem>> -> memref<128x64xbf16, #tpu.memory_space<vmem>>
        %dma_start3A_98 = arith.constant 0 : i32
        %dma_start3A_99 = tpu.memref_slice %arg9[%add3A_48, %dma_start3A_98] : memref<78x128xi32, #tpu.memory_space<vmem>> -> memref<1x128xi32, #tpu.memory_space<vmem>>
        %dma_start3A_100 = tpu.memref_squeeze %dma_start3A_99 : memref<1x128xi32, #tpu.memory_space<vmem>> -> memref<128xi32, #tpu.memory_space<vmem>>
        %dma_start3A_101 = arith.constant 0 : i32
        %dma_start3A_102 = arith.constant 0 : i32
        %dma_start3A_103 = tpu.memref_slice %arg7[%dma_start3A_101, %dma_start3A_102] : memref<10000x64xbf16, #tpu.memory_space<vmem_shared>> -> memref<10000x64xbf16, #tpu.memory_space<vmem_shared>>
        tpu.enqueue_indirect_dma source(%dma_start3A_97 : memref<128x64xbf16, #tpu.memory_space<vmem>>) target(%dma_start3A_103 : memref<10000x64xbf16, #tpu.memory_space<vmem_shared>>) offsets(%dma_start3A_100 : memref<128xi32, #tpu.memory_space<vmem>>) semaphore(%run_scoped3A_93 : memref<!tpu.dma_semaphore, #tpu.memory_space<semaphore_mem>>) {add = true}
        %dma_wait3A_104 = arith.constant 0 : i32
        %dma_wait3A_105 = arith.constant 0 : i32
        %dma_wait3A_106 = tpu.memref_slice %arg10[%run_scoped3A_85, %dma_wait3A_104, %dma_wait3A_105] : memref<2x128x64xbf16, #tpu.memory_space<vmem>> -> memref<1x128x64xbf16, #tpu.memory_space<vmem>>
        %dma_wait3A_107 = tpu.memref_squeeze %dma_wait3A_106 : memref<1x128x64xbf16, #tpu.memory_space<vmem>> -> memref<128x64xbf16, #tpu.memory_space<vmem>>
        %dma_wait3A_108 = arith.constant 0 : i32
        %dma_wait3A_109 = tpu.memref_slice %arg9[%add3A_48, %dma_wait3A_108] : memref<78x128xi32, #tpu.memory_space<vmem>> -> memref<1x128xi32, #tpu.memory_space<vmem>>
        %dma_wait3A_110 = tpu.memref_squeeze %dma_wait3A_109 : memref<1x128xi32, #tpu.memory_space<vmem>> -> memref<128xi32, #tpu.memory_space<vmem>>
        %dma_wait3A_111 = arith.constant 0 : i32
        %dma_wait3A_112 = arith.constant 0 : i32
        %dma_wait3A_113 = tpu.memref_slice %arg7[%dma_wait3A_111, %dma_wait3A_112] : memref<10000x64xbf16, #tpu.memory_space<vmem_shared>> -> memref<10000x64xbf16, #tpu.memory_space<vmem_shared>>
        tpu.wait_indirect_dma semaphore(%run_scoped3A_93 : memref<!tpu.dma_semaphore, #tpu.memory_space<semaphore_mem>>) src(%dma_wait3A_107 : memref<128x64xbf16, #tpu.memory_space<vmem>>) dst(%dma_wait3A_113 : memref<10000x64xbf16, #tpu.memory_space<vmem_shared>>)
        tpu.yield
      }) : () -> ()
      %add3A_86 = arith.constant 2 : i32
      %add3A_87 = arith.addi %add3A_48, %add3A_86 : i32
      %lt3A_88 = arith.constant 78 : i32
      %lt3A_89 = arith.cmpi slt, %add3A_87, %lt3A_88 : i32
      %convert_element_type3A_90 = arith.extui %lt3A_89 : i1 to i32
      %cond3A_91 = arith.constant 0 : i32
      %cond3A_92 = arith.cmpi ne, %convert_element_type3A_90, %cond3A_91 : i32
      scf.if %cond3A_92 {
        %add3A_93 = arith.constant 2 : i32
        %add3A_94 = arith.addi %add3A_48, %add3A_93 : i32
        %dma_start3A_95 = arith.constant 1 : i32
        %dma_start3A_96 = arith.constant 0 : i32
        %dma_start3A_97 = arith.constant 0 : i32
        %dma_start3A_98 = tpu.memref_slice %arg10[%dma_start3A_95, %dma_start3A_96, %dma_start3A_97] : memref<2x128x64xbf16, #tpu.memory_space<vmem>> -> memref<1x128x64xbf16, #tpu.memory_space<vmem>>
        %dma_start3A_99 = tpu.memref_squeeze %dma_start3A_98 : memref<1x128x64xbf16, #tpu.memory_space<vmem>> -> memref<128x64xbf16, #tpu.memory_space<vmem>>
        %dma_start3A_100 = arith.constant 0 : i32
        %dma_start3A_101 = tpu.memref_slice %arg8[%add3A_94, %dma_start3A_100] : memref<78x128xi32, #tpu.memory_space<vmem>> -> memref<1x128xi32, #tpu.memory_space<vmem>>
        %dma_start3A_102 = tpu.memref_squeeze %dma_start3A_101 : memref<1x128xi32, #tpu.memory_space<vmem>> -> memref<128xi32, #tpu.memory_space<vmem>>
        %dma_start3A_103 = arith.constant 0 : i32
        %dma_start3A_104 = arith.constant 0 : i32
        %dma_start3A_105 = tpu.memref_slice %arg2[%dma_start3A_103, %dma_start3A_104] : memref<10000x64xbf16, #tpu.memory_space<hbm>> -> memref<10000x64xbf16, #tpu.memory_space<hbm>>
        tpu.enqueue_indirect_dma source(%dma_start3A_105 : memref<10000x64xbf16, #tpu.memory_space<hbm>>) target(%dma_start3A_99 : memref<128x64xbf16, #tpu.memory_space<vmem>>) offsets(%dma_start3A_102 : memref<128xi32, #tpu.memory_space<vmem>>) semaphore(%arg14 : memref<!tpu.dma_semaphore, #tpu.memory_space<semaphore_mem>>)
      } else {
      }
    }
    %scan3A_38 = arith.constant 39 : i32
    %lt3A = arith.constant 4 : i32
    %lt3A_39 = arith.cmpi slt, %add3A, %lt3A : i32
    %convert_element_type3A_40 = arith.extui %lt3A_39 : i1 to i32
    %cond3A_41 = arith.constant 0 : i32
    %cond3A_42 = arith.cmpi ne, %convert_element_type3A_40, %cond3A_41 : i32
    scf.if %cond3A_42 {
      %add3A_44 = arith.constant 2496 : i32
      %add3A_45 = arith.addi %add3A_44, %add3A : i32
      "tpu.region"() ({
        %run_scoped3A_73 = tpu.sem_alloc : memref<!tpu.dma_semaphore, #tpu.memory_space<semaphore_mem>>
        %dma_start3A_74 = arith.constant 0 : i32
        %dma_start3A_75 = tpu.memref_slice %arg3[%add3A_45, %dma_start3A_74] : memref<2500x128xi32, #tpu.memory_space<hbm>> -> memref<1x128xi32, #tpu.memory_space<hbm>>
        %dma_start3A_76 = arith.constant 0 : i32
        %dma_start3A_77 = tpu.memref_slice %arg3[%add3A_45, %dma_start3A_76] : memref<2500x128xi32, #tpu.memory_space<hbm>> -> memref<1x128xi32, #tpu.memory_space<hbm>>
        tpu.enqueue_dma source(%dma_start3A_77 : memref<1x128xi32, #tpu.memory_space<hbm>>) target(%arg11 : memref<1x128xi32, #tpu.memory_space<vmem>>) target_semaphore(%run_scoped3A_73 : memref<!tpu.dma_semaphore, #tpu.memory_space<semaphore_mem>>)
        %dma_wait3A_78 = arith.constant 0 : i32
        %dma_wait3A_79 = tpu.memref_slice %arg3[%add3A_45, %dma_wait3A_78] : memref<2500x128xi32, #tpu.memory_space<hbm>> -> memref<1x128xi32, #tpu.memory_space<hbm>>
        %dma_wait3A_80 = arith.constant 0 : i32
        %dma_wait3A_81 = tpu.memref_slice %arg3[%add3A_45, %dma_wait3A_80] : memref<2500x128xi32, #tpu.memory_space<hbm>> -> memref<1x128xi32, #tpu.memory_space<hbm>>
        tpu.wait_dma2 semaphore(%run_scoped3A_73 : memref<!tpu.dma_semaphore, #tpu.memory_space<semaphore_mem>>) src(%dma_wait3A_81 : memref<1x128xi32, #tpu.memory_space<hbm>>) dst(%arg11 : memref<1x128xi32, #tpu.memory_space<vmem>>)
        tpu.yield
      }) : () -> ()
      "tpu.region"() ({
        %run_scoped3A_73 = tpu.sem_alloc : memref<!tpu.dma_semaphore, #tpu.memory_space<semaphore_mem>>
        %dma_start3A_74 = arith.constant 0 : i32
        %dma_start3A_75 = tpu.memref_slice %arg4[%add3A_45, %dma_start3A_74] : memref<2500x128xi32, #tpu.memory_space<hbm>> -> memref<1x128xi32, #tpu.memory_space<hbm>>
        %dma_start3A_76 = arith.constant 0 : i32
        %dma_start3A_77 = tpu.memref_slice %arg4[%add3A_45, %dma_start3A_76] : memref<2500x128xi32, #tpu.memory_space<hbm>> -> memref<1x128xi32, #tpu.memory_space<hbm>>
        tpu.enqueue_dma source(%dma_start3A_77 : memref<1x128xi32, #tpu.memory_space<hbm>>) target(%arg12 : memref<1x128xi32, #tpu.memory_space<vmem>>) target_semaphore(%run_scoped3A_73 : memref<!tpu.dma_semaphore, #tpu.memory_space<semaphore_mem>>)
        %dma_wait3A_78 = arith.constant 0 : i32
        %dma_wait3A_79 = tpu.memref_slice %arg4[%add3A_45, %dma_wait3A_78] : memref<2500x128xi32, #tpu.memory_space<hbm>> -> memref<1x128xi32, #tpu.memory_space<hbm>>
        %dma_wait3A_80 = arith.constant 0 : i32
        %dma_wait3A_81 = tpu.memref_slice %arg4[%add3A_45, %dma_wait3A_80] : memref<2500x128xi32, #tpu.memory_space<hbm>> -> memref<1x128xi32, #tpu.memory_space<hbm>>
        tpu.wait_dma2 semaphore(%run_scoped3A_73 : memref<!tpu.dma_semaphore, #tpu.memory_space<semaphore_mem>>) src(%dma_wait3A_81 : memref<1x128xi32, #tpu.memory_space<hbm>>) dst(%arg12 : memref<1x128xi32, #tpu.memory_space<vmem>>)
        tpu.yield
      }) : () -> ()
      %dma_start3A_46 = arith.constant 0 : i32
      %dma_start3A_47 = arith.constant 0 : i32
      %dma_start3A_48 = arith.constant 0 : i32
      %dma_start3A_49 = arith.constant 0 : i32
      %dma_start3A_50 = tpu.memref_slice %arg10[%dma_start3A_47, %dma_start3A_48, %dma_start3A_49] : memref<2x128x64xbf16, #tpu.memory_space<vmem>> -> memref<1x128x64xbf16, #tpu.memory_space<vmem>>
      %dma_start3A_51 = tpu.memref_squeeze %dma_start3A_50 : memref<1x128x64xbf16, #tpu.memory_space<vmem>> -> memref<128x64xbf16, #tpu.memory_space<vmem>>
      %dma_start3A_52 = arith.constant 0 : i32
      %dma_start3A_53 = tpu.memref_slice %arg11[%dma_start3A_46, %dma_start3A_52] : memref<1x128xi32, #tpu.memory_space<vmem>> -> memref<1x128xi32, #tpu.memory_space<vmem>>
      %dma_start3A_54 = tpu.memref_squeeze %dma_start3A_53 : memref<1x128xi32, #tpu.memory_space<vmem>> -> memref<128xi32, #tpu.memory_space<vmem>>
      %dma_start3A_55 = arith.constant 0 : i32
      %dma_start3A_56 = arith.constant 0 : i32
      %dma_start3A_57 = tpu.memref_slice %arg2[%dma_start3A_55, %dma_start3A_56] : memref<10000x64xbf16, #tpu.memory_space<hbm>> -> memref<10000x64xbf16, #tpu.memory_space<hbm>>
      tpu.enqueue_indirect_dma source(%dma_start3A_57 : memref<10000x64xbf16, #tpu.memory_space<hbm>>) target(%dma_start3A_51 : memref<128x64xbf16, #tpu.memory_space<vmem>>) offsets(%dma_start3A_54 : memref<128xi32, #tpu.memory_space<vmem>>) semaphore(%arg13 : memref<!tpu.dma_semaphore, #tpu.memory_space<semaphore_mem>>)
      %dma_wait3A = arith.constant 0 : i32
      %dma_wait3A_58 = arith.constant 0 : i32
      %dma_wait3A_59 = arith.constant 0 : i32
      %dma_wait3A_60 = tpu.memref_slice %arg10[%dma_wait3A, %dma_wait3A_58, %dma_wait3A_59] : memref<2x128x64xbf16, #tpu.memory_space<vmem>> -> memref<1x128x64xbf16, #tpu.memory_space<vmem>>
      %dma_wait3A_61 = tpu.memref_squeeze %dma_wait3A_60 : memref<1x128x64xbf16, #tpu.memory_space<vmem>> -> memref<128x64xbf16, #tpu.memory_space<vmem>>
      %dma_wait3A_62 = arith.constant 0 : i32
      %dma_wait3A_63 = arith.constant 0 : i32
      %dma_wait3A_64 = tpu.memref_slice %arg2[%dma_wait3A_62, %dma_wait3A_63] : memref<10000x64xbf16, #tpu.memory_space<hbm>> -> memref<128x64xbf16, #tpu.memory_space<hbm>>
      %dma_wait3A_65 = arith.constant 0 : i32
      %dma_wait3A_66 = arith.constant 0 : i32
      %dma_wait3A_67 = tpu.memref_slice %arg10[%dma_wait3A, %dma_wait3A_65, %dma_wait3A_66] : memref<2x128x64xbf16, #tpu.memory_space<vmem>> -> memref<1x128x64xbf16, #tpu.memory_space<vmem>>
      %dma_wait3A_68 = tpu.memref_squeeze %dma_wait3A_67 : memref<1x128x64xbf16, #tpu.memory_space<vmem>> -> memref<128x64xbf16, #tpu.memory_space<vmem>>
      %dma_wait3A_69 = arith.constant 0 : i32
      %dma_wait3A_70 = arith.constant 0 : i32
      %dma_wait3A_71 = tpu.memref_slice %arg2[%dma_wait3A_69, %dma_wait3A_70] : memref<10000x64xbf16, #tpu.memory_space<hbm>> -> memref<128x64xbf16, #tpu.memory_space<hbm>>
      tpu.wait_dma2 semaphore(%arg13 : memref<!tpu.dma_semaphore, #tpu.memory_space<semaphore_mem>>) src(%dma_wait3A_71 : memref<128x64xbf16, #tpu.memory_space<hbm>>) dst(%dma_wait3A_68 : memref<128x64xbf16, #tpu.memory_space<vmem>>)
      %run_scoped3A = arith.constant 0 : i32
      %run_scoped3A_72 = arith.constant 0 : i32
      "tpu.region"() ({
        %run_scoped3A_73 = tpu.sem_alloc : memref<!tpu.dma_semaphore, #tpu.memory_space<semaphore_mem>>
        %dma_start3A_74 = arith.constant 0 : i32
        %dma_start3A_75 = arith.constant 0 : i32
        %dma_start3A_76 = tpu.memref_slice %arg10[%run_scoped3A, %dma_start3A_74, %dma_start3A_75] : memref<2x128x64xbf16, #tpu.memory_space<vmem>> -> memref<1x128x64xbf16, #tpu.memory_space<vmem>>
        %dma_start3A_77 = tpu.memref_squeeze %dma_start3A_76 : memref<1x128x64xbf16, #tpu.memory_space<vmem>> -> memref<128x64xbf16, #tpu.memory_space<vmem>>
        %dma_start3A_78 = arith.constant 0 : i32
        %dma_start3A_79 = tpu.memref_slice %arg12[%run_scoped3A_72, %dma_start3A_78] : memref<1x128xi32, #tpu.memory_space<vmem>> -> memref<1x128xi32, #tpu.memory_space<vmem>>
        %dma_start3A_80 = tpu.memref_squeeze %dma_start3A_79 : memref<1x128xi32, #tpu.memory_space<vmem>> -> memref<128xi32, #tpu.memory_space<vmem>>
        %dma_start3A_81 = arith.constant 0 : i32
        %dma_start3A_82 = arith.constant 0 : i32
        %dma_start3A_83 = tpu.memref_slice %arg7[%dma_start3A_81, %dma_start3A_82] : memref<10000x64xbf16, #tpu.memory_space<vmem_shared>> -> memref<10000x64xbf16, #tpu.memory_space<vmem_shared>>
        tpu.enqueue_indirect_dma source(%dma_start3A_77 : memref<128x64xbf16, #tpu.memory_space<vmem>>) target(%dma_start3A_83 : memref<10000x64xbf16, #tpu.memory_space<vmem_shared>>) offsets(%dma_start3A_80 : memref<128xi32, #tpu.memory_space<vmem>>) semaphore(%run_scoped3A_73 : memref<!tpu.dma_semaphore, #tpu.memory_space<semaphore_mem>>) {add = true}
        %dma_wait3A_84 = arith.constant 0 : i32
        %dma_wait3A_85 = arith.constant 0 : i32
        %dma_wait3A_86 = tpu.memref_slice %arg10[%run_scoped3A, %dma_wait3A_84, %dma_wait3A_85] : memref<2x128x64xbf16, #tpu.memory_space<vmem>> -> memref<1x128x64xbf16, #tpu.memory_space<vmem>>
        %dma_wait3A_87 = tpu.memref_squeeze %dma_wait3A_86 : memref<1x128x64xbf16, #tpu.memory_space<vmem>> -> memref<128x64xbf16, #tpu.memory_space<vmem>>
        %dma_wait3A_88 = arith.constant 0 : i32
        %dma_wait3A_89 = tpu.memref_slice %arg12[%run_scoped3A_72, %dma_wait3A_88] : memref<1x128xi32, #tpu.memory_space<vmem>> -> memref<1x128xi32, #tpu.memory_space<vmem>>
        %dma_wait3A_90 = tpu.memref_squeeze %dma_wait3A_89 : memref<1x128xi32, #tpu.memory_space<vmem>> -> memref<128xi32, #tpu.memory_space<vmem>>
        %dma_wait3A_91 = arith.constant 0 : i32
        %dma_wait3A_92 = arith.constant 0 : i32
        %dma_wait3A_93 = tpu.memref_slice %arg7[%dma_wait3A_91, %dma_wait3A_92] : memref<10000x64xbf16, #tpu.memory_space<vmem_shared>> -> memref<10000x64xbf16, #tpu.memory_space<vmem_shared>>
        tpu.wait_indirect_dma semaphore(%run_scoped3A_73 : memref<!tpu.dma_semaphore, #tpu.memory_space<semaphore_mem>>) src(%dma_wait3A_87 : memref<128x64xbf16, #tpu.memory_space<vmem>>) dst(%dma_wait3A_93 : memref<10000x64xbf16, #tpu.memory_space<vmem_shared>>)
        tpu.yield
      }) : () -> ()
    } else {
    }
    %barrier3A_43 = arith.constant 0 : index
    tpu.barrier barrier_id(%barrier3A_43)
    "tpu.region"() ({
      %run_scoped3A = tpu.sem_alloc : memref<!tpu.dma_semaphore, #tpu.memory_space<semaphore_mem>>
      %dma_start3A_44 = arith.constant 0 : i32
      %dma_start3A_45 = tpu.memref_slice %arg6[%arg0, %mul3A_2, %dma_start3A_44] : memref<2x10000x64xbf16, #tpu.memory_space<hbm>> -> memref<1x625x64xbf16, #tpu.memory_space<hbm>>
      %dma_start3A_46 = tpu.memref_squeeze %dma_start3A_45 : memref<1x625x64xbf16, #tpu.memory_space<hbm>> -> memref<625x64xbf16, #tpu.memory_space<hbm>>
      %dma_start3A_47 = arith.constant 0 : i32
      %dma_start3A_48 = tpu.memref_slice %arg7[%mul3A_2, %dma_start3A_47] : memref<10000x64xbf16, #tpu.memory_space<vmem_shared>> -> memref<625x64xbf16, #tpu.memory_space<vmem_shared>>
      tpu.enqueue_dma source(%dma_start3A_48 : memref<625x64xbf16, #tpu.memory_space<vmem_shared>>) target(%dma_start3A_46 : memref<625x64xbf16, #tpu.memory_space<hbm>>) target_semaphore(%run_scoped3A : memref<!tpu.dma_semaphore, #tpu.memory_space<semaphore_mem>>)
      %dma_wait3A = arith.constant 0 : i32
      %dma_wait3A_49 = tpu.memref_slice %arg6[%arg0, %mul3A_2, %dma_wait3A] : memref<2x10000x64xbf16, #tpu.memory_space<hbm>> -> memref<1x625x64xbf16, #tpu.memory_space<hbm>>
      %dma_wait3A_50 = tpu.memref_squeeze %dma_wait3A_49 : memref<1x625x64xbf16, #tpu.memory_space<hbm>> -> memref<625x64xbf16, #tpu.memory_space<hbm>>
      %dma_wait3A_51 = arith.constant 0 : i32
      %dma_wait3A_52 = tpu.memref_slice %arg7[%mul3A_2, %dma_wait3A_51] : memref<10000x64xbf16, #tpu.memory_space<vmem_shared>> -> memref<625x64xbf16, #tpu.memory_space<vmem_shared>>
      tpu.wait_dma2 semaphore(%run_scoped3A : memref<!tpu.dma_semaphore, #tpu.memory_space<semaphore_mem>>) src(%dma_wait3A_52 : memref<625x64xbf16, #tpu.memory_space<vmem_shared>>) dst(%dma_wait3A_50 : memref<625x64xbf16, #tpu.memory_space<hbm>>)
      tpu.yield
    }) : () -> ()
    return
  }
}

#map = affine_map<(d0, d1) -> (0, 0)>
#map1 = affine_map<(d0, d1) -> (0, 0, 0)>
module attributes {stable_mosaic.version = 14 : i64} {
  func.func @k(%arg0: i32, %arg1: i32, %arg2: memref<10000x128xbf16, #tpu.memory_space<hbm>>, %arg3: memref<2500x128xi32, #tpu.memory_space<hbm>>, %arg4: memref<2500x128xi32, #tpu.memory_space<hbm>>, %arg5: memref<625x128xbf16, #tpu.memory_space<hbm>>, %arg6: memref<2x10000x128xbf16, #tpu.memory_space<hbm>>, %arg7: memref<10000x128xbf16, #tpu.memory_space<vmem_shared>>, %arg8: memref<78x128xi32, #tpu.memory_space<vmem>>, %arg9: memref<78x128xi32, #tpu.memory_space<vmem>>, %arg10: memref<2x128x128xbf16, #tpu.memory_space<vmem>>, %arg11: memref<1x128xi32, #tpu.memory_space<vmem>>, %arg12: memref<1x128xi32, #tpu.memory_space<vmem>>, %arg13: memref<!tpu.dma_semaphore, #tpu.memory_space<semaphore_mem>>, %arg14: memref<!tpu.dma_semaphore, #tpu.memory_space<semaphore_mem>>) attributes {dimension_semantics = [#tpu.dimension_semantics<core_parallel>, #tpu.dimension_semantics<subcore_parallel>], iteration_bounds = array<i64: 2, 16>, scalar_prefetch = 0 : i64, scratch_operands = 8 : i64, tpu.core_type = #tpu.core_type<sc_vector_subcore>, window_params = [{transform_indices = #map}, {transform_indices = #map}, {transform_indices = #map}, {transform_indices = #map}, {transform_indices = #map1}]} {
    %mul3A = arith.constant 16 : i32
    %mul3A_0 = arith.muli %arg0, %mul3A : i32
    %add3A = arith.addi %mul3A_0, %arg1 : i32
    %mul3A_1 = arith.constant 625 : i32
    %mul3A_2 = arith.muli %arg1, %mul3A_1 : i32
    %eq3A = arith.constant 0 : i32
    %eq3A_3 = arith.cmpi eq, %arg0, %eq3A : i32
    %convert_element_type3A = arith.extui %eq3A_3 : i1 to i32
    %cond3A = arith.constant 0 : i32
    %cond3A_4 = arith.cmpi ne, %convert_element_type3A, %cond3A : i32
    scf.if %cond3A_4 {
      "tpu.region"() ({
        %run_scoped3A = tpu.sem_alloc : memref<!tpu.dma_semaphore, #tpu.memory_space<semaphore_mem>>
        %dma_start3A_44 = arith.constant 0 : i32
        %dma_start3A_45 = tpu.memref_slice %arg7[%mul3A_2, %dma_start3A_44] : memref<10000x128xbf16, #tpu.memory_space<vmem_shared>> -> memref<625x128xbf16, #tpu.memory_space<vmem_shared>>
        %dma_start3A_46 = arith.constant 0 : i32
        %dma_start3A_47 = tpu.memref_slice %arg2[%mul3A_2, %dma_start3A_46] : memref<10000x128xbf16, #tpu.memory_space<hbm>> -> memref<625x128xbf16, #tpu.memory_space<hbm>>
        tpu.enqueue_dma source(%dma_start3A_47 : memref<625x128xbf16, #tpu.memory_space<hbm>>) target(%dma_start3A_45 : memref<625x128xbf16, #tpu.memory_space<vmem_shared>>) target_semaphore(%run_scoped3A : memref<!tpu.dma_semaphore, #tpu.memory_space<semaphore_mem>>)
        %dma_wait3A = arith.constant 0 : i32
        %dma_wait3A_48 = tpu.memref_slice %arg7[%mul3A_2, %dma_wait3A] : memref<10000x128xbf16, #tpu.memory_space<vmem_shared>> -> memref<625x128xbf16, #tpu.memory_space<vmem_shared>>
        %dma_wait3A_49 = arith.constant 0 : i32
        %dma_wait3A_50 = tpu.memref_slice %arg2[%mul3A_2, %dma_wait3A_49] : memref<10000x128xbf16, #tpu.memory_space<hbm>> -> memref<625x128xbf16, #tpu.memory_space<hbm>>
        tpu.wait_dma2 semaphore(%run_scoped3A : memref<!tpu.dma_semaphore, #tpu.memory_space<semaphore_mem>>) src(%dma_wait3A_50 : memref<625x128xbf16, #tpu.memory_space<hbm>>) dst(%dma_wait3A_48 : memref<625x128xbf16, #tpu.memory_space<vmem_shared>>)
        tpu.yield
      }) : () -> ()
    } else {
    }
    %ne3A = arith.constant 0 : i32
    %ne3A_5 = arith.cmpi ne, %arg0, %ne3A : i32
    %convert_element_type3A_6 = arith.extui %ne3A_5 : i1 to i32
    %cond3A_7 = arith.constant 0 : i32
    %cond3A_8 = arith.cmpi ne, %convert_element_type3A_6, %cond3A_7 : i32
    scf.if %cond3A_8 {
      "tpu.region"() ({
        %run_scoped3A = tpu.sem_alloc : memref<!tpu.dma_semaphore, #tpu.memory_space<semaphore_mem>>
        %dma_start3A_44 = arith.constant 0 : i32
        %dma_start3A_45 = tpu.memref_slice %arg7[%mul3A_2, %dma_start3A_44] : memref<10000x128xbf16, #tpu.memory_space<vmem_shared>> -> memref<625x128xbf16, #tpu.memory_space<vmem_shared>>
        tpu.enqueue_dma source(%arg5 : memref<625x128xbf16, #tpu.memory_space<hbm>>) target(%dma_start3A_45 : memref<625x128xbf16, #tpu.memory_space<vmem_shared>>) target_semaphore(%run_scoped3A : memref<!tpu.dma_semaphore, #tpu.memory_space<semaphore_mem>>)
        %dma_wait3A = arith.constant 0 : i32
        %dma_wait3A_46 = tpu.memref_slice %arg7[%mul3A_2, %dma_wait3A] : memref<10000x128xbf16, #tpu.memory_space<vmem_shared>> -> memref<625x128xbf16, #tpu.memory_space<vmem_shared>>
        tpu.wait_dma2 semaphore(%run_scoped3A : memref<!tpu.dma_semaphore, #tpu.memory_space<semaphore_mem>>) src(%arg5 : memref<625x128xbf16, #tpu.memory_space<hbm>>) dst(%dma_wait3A_46 : memref<625x128xbf16, #tpu.memory_space<vmem_shared>>)
        tpu.yield
      }) : () -> ()
    } else {
    }
    %barrier3A = arith.constant 0 : index
    tpu.barrier barrier_id(%barrier3A)
    %mul3A_9 = arith.constant 78 : i32
    %mul3A_10 = arith.muli %add3A, %mul3A_9 : i32
    "tpu.region"() ({
      %run_scoped3A = tpu.sem_alloc : memref<!tpu.dma_semaphore, #tpu.memory_space<semaphore_mem>>
      %dma_start3A_44 = arith.constant 0 : i32
      %dma_start3A_45 = arith.constant 0 : i32
      %dma_start3A_46 = tpu.memref_slice %arg8[%dma_start3A_44, %dma_start3A_45] : memref<78x128xi32, #tpu.memory_space<vmem>> -> memref<78x128xi32, #tpu.memory_space<vmem>>
      %dma_start3A_47 = arith.constant 0 : i32
      %dma_start3A_48 = tpu.memref_slice %arg3[%mul3A_10, %dma_start3A_47] : memref<2500x128xi32, #tpu.memory_space<hbm>> -> memref<78x128xi32, #tpu.memory_space<hbm>>
      %dma_start3A_49 = arith.constant 0 : i32
      %dma_start3A_50 = arith.constant 0 : i32
      %dma_start3A_51 = tpu.memref_slice %arg8[%dma_start3A_49, %dma_start3A_50] : memref<78x128xi32, #tpu.memory_space<vmem>> -> memref<78x128xi32, #tpu.memory_space<vmem>>
      %dma_start3A_52 = arith.constant 0 : i32
      %dma_start3A_53 = tpu.memref_slice %arg3[%mul3A_10, %dma_start3A_52] : memref<2500x128xi32, #tpu.memory_space<hbm>> -> memref<78x128xi32, #tpu.memory_space<hbm>>
      tpu.enqueue_dma source(%dma_start3A_53 : memref<78x128xi32, #tpu.memory_space<hbm>>) target(%dma_start3A_51 : memref<78x128xi32, #tpu.memory_space<vmem>>) target_semaphore(%run_scoped3A : memref<!tpu.dma_semaphore, #tpu.memory_space<semaphore_mem>>)
      %dma_wait3A = arith.constant 0 : i32
      %dma_wait3A_54 = arith.constant 0 : i32
      %dma_wait3A_55 = tpu.memref_slice %arg8[%dma_wait3A, %dma_wait3A_54] : memref<78x128xi32, #tpu.memory_space<vmem>> -> memref<78x128xi32, #tpu.memory_space<vmem>>
      %dma_wait3A_56 = arith.constant 0 : i32
      %dma_wait3A_57 = tpu.memref_slice %arg3[%mul3A_10, %dma_wait3A_56] : memref<2500x128xi32, #tpu.memory_space<hbm>> -> memref<78x128xi32, #tpu.memory_space<hbm>>
      %dma_wait3A_58 = arith.constant 0 : i32
      %dma_wait3A_59 = arith.constant 0 : i32
      %dma_wait3A_60 = tpu.memref_slice %arg8[%dma_wait3A_58, %dma_wait3A_59] : memref<78x128xi32, #tpu.memory_space<vmem>> -> memref<78x128xi32, #tpu.memory_space<vmem>>
      %dma_wait3A_61 = arith.constant 0 : i32
      %dma_wait3A_62 = tpu.memref_slice %arg3[%mul3A_10, %dma_wait3A_61] : memref<2500x128xi32, #tpu.memory_space<hbm>> -> memref<78x128xi32, #tpu.memory_space<hbm>>
      tpu.wait_dma2 semaphore(%run_scoped3A : memref<!tpu.dma_semaphore, #tpu.memory_space<semaphore_mem>>) src(%dma_wait3A_62 : memref<78x128xi32, #tpu.memory_space<hbm>>) dst(%dma_wait3A_60 : memref<78x128xi32, #tpu.memory_space<vmem>>)
      tpu.yield
    }) : () -> ()
    "tpu.region"() ({
      %run_scoped3A = tpu.sem_alloc : memref<!tpu.dma_semaphore, #tpu.memory_space<semaphore_mem>>
      %dma_start3A_44 = arith.constant 0 : i32
      %dma_start3A_45 = arith.constant 0 : i32
      %dma_start3A_46 = tpu.memref_slice %arg9[%dma_start3A_44, %dma_start3A_45] : memref<78x128xi32, #tpu.memory_space<vmem>> -> memref<78x128xi32, #tpu.memory_space<vmem>>
      %dma_start3A_47 = arith.constant 0 : i32
      %dma_start3A_48 = tpu.memref_slice %arg4[%mul3A_10, %dma_start3A_47] : memref<2500x128xi32, #tpu.memory_space<hbm>> -> memref<78x128xi32, #tpu.memory_space<hbm>>
      %dma_start3A_49 = arith.constant 0 : i32
      %dma_start3A_50 = arith.constant 0 : i32
      %dma_start3A_51 = tpu.memref_slice %arg9[%dma_start3A_49, %dma_start3A_50] : memref<78x128xi32, #tpu.memory_space<vmem>> -> memref<78x128xi32, #tpu.memory_space<vmem>>
      %dma_start3A_52 = arith.constant 0 : i32
      %dma_start3A_53 = tpu.memref_slice %arg4[%mul3A_10, %dma_start3A_52] : memref<2500x128xi32, #tpu.memory_space<hbm>> -> memref<78x128xi32, #tpu.memory_space<hbm>>
      tpu.enqueue_dma source(%dma_start3A_53 : memref<78x128xi32, #tpu.memory_space<hbm>>) target(%dma_start3A_51 : memref<78x128xi32, #tpu.memory_space<vmem>>) target_semaphore(%run_scoped3A : memref<!tpu.dma_semaphore, #tpu.memory_space<semaphore_mem>>)
      %dma_wait3A = arith.constant 0 : i32
      %dma_wait3A_54 = arith.constant 0 : i32
      %dma_wait3A_55 = tpu.memref_slice %arg9[%dma_wait3A, %dma_wait3A_54] : memref<78x128xi32, #tpu.memory_space<vmem>> -> memref<78x128xi32, #tpu.memory_space<vmem>>
      %dma_wait3A_56 = arith.constant 0 : i32
      %dma_wait3A_57 = tpu.memref_slice %arg4[%mul3A_10, %dma_wait3A_56] : memref<2500x128xi32, #tpu.memory_space<hbm>> -> memref<78x128xi32, #tpu.memory_space<hbm>>
      %dma_wait3A_58 = arith.constant 0 : i32
      %dma_wait3A_59 = arith.constant 0 : i32
      %dma_wait3A_60 = tpu.memref_slice %arg9[%dma_wait3A_58, %dma_wait3A_59] : memref<78x128xi32, #tpu.memory_space<vmem>> -> memref<78x128xi32, #tpu.memory_space<vmem>>
      %dma_wait3A_61 = arith.constant 0 : i32
      %dma_wait3A_62 = tpu.memref_slice %arg4[%mul3A_10, %dma_wait3A_61] : memref<2500x128xi32, #tpu.memory_space<hbm>> -> memref<78x128xi32, #tpu.memory_space<hbm>>
      tpu.wait_dma2 semaphore(%run_scoped3A : memref<!tpu.dma_semaphore, #tpu.memory_space<semaphore_mem>>) src(%dma_wait3A_62 : memref<78x128xi32, #tpu.memory_space<hbm>>) dst(%dma_wait3A_60 : memref<78x128xi32, #tpu.memory_space<vmem>>)
      tpu.yield
    }) : () -> ()
    %dma_start3A = arith.constant 0 : i32
    %dma_start3A_11 = arith.constant 0 : i32
    %dma_start3A_12 = arith.constant 0 : i32
    %dma_start3A_13 = arith.constant 0 : i32
    %dma_start3A_14 = tpu.memref_slice %arg10[%dma_start3A_11, %dma_start3A_12, %dma_start3A_13] : memref<2x128x128xbf16, #tpu.memory_space<vmem>> -> memref<1x128x128xbf16, #tpu.memory_space<vmem>>
    %dma_start3A_15 = tpu.memref_squeeze %dma_start3A_14 : memref<1x128x128xbf16, #tpu.memory_space<vmem>> -> memref<128x128xbf16, #tpu.memory_space<vmem>>
    %dma_start3A_16 = arith.constant 0 : i32
    %dma_start3A_17 = tpu.memref_slice %arg8[%dma_start3A, %dma_start3A_16] : memref<78x128xi32, #tpu.memory_space<vmem>> -> memref<1x128xi32, #tpu.memory_space<vmem>>
    %dma_start3A_18 = tpu.memref_squeeze %dma_start3A_17 : memref<1x128xi32, #tpu.memory_space<vmem>> -> memref<128xi32, #tpu.memory_space<vmem>>
    %dma_start3A_19 = arith.constant 0 : i32
    %dma_start3A_20 = arith.constant 0 : i32
    %dma_start3A_21 = tpu.memref_slice %arg2[%dma_start3A_19, %dma_start3A_20] : memref<10000x128xbf16, #tpu.memory_space<hbm>> -> memref<10000x128xbf16, #tpu.memory_space<hbm>>
    tpu.enqueue_indirect_dma source(%dma_start3A_21 : memref<10000x128xbf16, #tpu.memory_space<hbm>>) target(%dma_start3A_15 : memref<128x128xbf16, #tpu.memory_space<vmem>>) offsets(%dma_start3A_18 : memref<128xi32, #tpu.memory_space<vmem>>) semaphore(%arg13 : memref<!tpu.dma_semaphore, #tpu.memory_space<semaphore_mem>>)
    %dma_start3A_22 = arith.constant 1 : i32
    %dma_start3A_23 = arith.constant 1 : i32
    %dma_start3A_24 = arith.constant 0 : i32
    %dma_start3A_25 = arith.constant 0 : i32
    %dma_start3A_26 = tpu.memref_slice %arg10[%dma_start3A_23, %dma_start3A_24, %dma_start3A_25] : memref<2x128x128xbf16, #tpu.memory_space<vmem>> -> memref<1x128x128xbf16, #tpu.memory_space<vmem>>
    %dma_start3A_27 = tpu.memref_squeeze %dma_start3A_26 : memref<1x128x128xbf16, #tpu.memory_space<vmem>> -> memref<128x128xbf16, #tpu.memory_space<vmem>>
    %dma_start3A_28 = arith.constant 0 : i32
    %dma_start3A_29 = tpu.memref_slice %arg8[%dma_start3A_22, %dma_start3A_28] : memref<78x128xi32, #tpu.memory_space<vmem>> -> memref<1x128xi32, #tpu.memory_space<vmem>>
    %dma_start3A_30 = tpu.memref_squeeze %dma_start3A_29 : memref<1x128xi32, #tpu.memory_space<vmem>> -> memref<128xi32, #tpu.memory_space<vmem>>
    %dma_start3A_31 = arith.constant 0 : i32
    %dma_start3A_32 = arith.constant 0 : i32
    %dma_start3A_33 = tpu.memref_slice %arg2[%dma_start3A_31, %dma_start3A_32] : memref<10000x128xbf16, #tpu.memory_space<hbm>> -> memref<10000x128xbf16, #tpu.memory_space<hbm>>
    tpu.enqueue_indirect_dma source(%dma_start3A_33 : memref<10000x128xbf16, #tpu.memory_space<hbm>>) target(%dma_start3A_27 : memref<128x128xbf16, #tpu.memory_space<vmem>>) offsets(%dma_start3A_30 : memref<128xi32, #tpu.memory_space<vmem>>) semaphore(%arg14 : memref<!tpu.dma_semaphore, #tpu.memory_space<semaphore_mem>>)
    %scan3A = arith.constant 0 : i32
    %scan3A_34 = arith.constant 0 : i32
    %scan3A_35 = arith.constant 39 : i32
    %scan3A_36 = arith.addi %scan3A_34, %scan3A_35 : i32
    %scan3A_37 = arith.constant 1 : i32
    scf.for %scan3A_44 = %scan3A_34 to %scan3A_36 step %scan3A_37  : i32 {
      %mul3A_45 = arith.constant 2 : i32
      %mul3A_46 = arith.muli %mul3A_45, %scan3A_44 : i32
      %add3A_47 = arith.constant 1 : i32
      %add3A_48 = arith.addi %mul3A_46, %add3A_47 : i32
      %dma_wait3A = arith.constant 0 : i32
      %dma_wait3A_49 = arith.constant 0 : i32
      %dma_wait3A_50 = arith.constant 0 : i32
      %dma_wait3A_51 = tpu.memref_slice %arg10[%dma_wait3A, %dma_wait3A_49, %dma_wait3A_50] : memref<2x128x128xbf16, #tpu.memory_space<vmem>> -> memref<1x128x128xbf16, #tpu.memory_space<vmem>>
      %dma_wait3A_52 = tpu.memref_squeeze %dma_wait3A_51 : memref<1x128x128xbf16, #tpu.memory_space<vmem>> -> memref<128x128xbf16, #tpu.memory_space<vmem>>
      %dma_wait3A_53 = arith.constant 0 : i32
      %dma_wait3A_54 = arith.constant 0 : i32
      %dma_wait3A_55 = tpu.memref_slice %arg2[%dma_wait3A_53, %dma_wait3A_54] : memref<10000x128xbf16, #tpu.memory_space<hbm>> -> memref<128x128xbf16, #tpu.memory_space<hbm>>
      %dma_wait3A_56 = arith.constant 0 : i32
      %dma_wait3A_57 = arith.constant 0 : i32
      %dma_wait3A_58 = tpu.memref_slice %arg10[%dma_wait3A, %dma_wait3A_56, %dma_wait3A_57] : memref<2x128x128xbf16, #tpu.memory_space<vmem>> -> memref<1x128x128xbf16, #tpu.memory_space<vmem>>
      %dma_wait3A_59 = tpu.memref_squeeze %dma_wait3A_58 : memref<1x128x128xbf16, #tpu.memory_space<vmem>> -> memref<128x128xbf16, #tpu.memory_space<vmem>>
      %dma_wait3A_60 = arith.constant 0 : i32
      %dma_wait3A_61 = arith.constant 0 : i32
      %dma_wait3A_62 = tpu.memref_slice %arg2[%dma_wait3A_60, %dma_wait3A_61] : memref<10000x128xbf16, #tpu.memory_space<hbm>> -> memref<128x128xbf16, #tpu.memory_space<hbm>>
      tpu.wait_dma2 semaphore(%arg13 : memref<!tpu.dma_semaphore, #tpu.memory_space<semaphore_mem>>) src(%dma_wait3A_62 : memref<128x128xbf16, #tpu.memory_space<hbm>>) dst(%dma_wait3A_59 : memref<128x128xbf16, #tpu.memory_space<vmem>>)
      %run_scoped3A = arith.constant 0 : i32
      "tpu.region"() ({
        %run_scoped3A_93 = tpu.sem_alloc : memref<!tpu.dma_semaphore, #tpu.memory_space<semaphore_mem>>
        %dma_start3A_94 = arith.constant 0 : i32
        %dma_start3A_95 = arith.constant 0 : i32
        %dma_start3A_96 = tpu.memref_slice %arg10[%run_scoped3A, %dma_start3A_94, %dma_start3A_95] : memref<2x128x128xbf16, #tpu.memory_space<vmem>> -> memref<1x128x128xbf16, #tpu.memory_space<vmem>>
        %dma_start3A_97 = tpu.memref_squeeze %dma_start3A_96 : memref<1x128x128xbf16, #tpu.memory_space<vmem>> -> memref<128x128xbf16, #tpu.memory_space<vmem>>
        %dma_start3A_98 = arith.constant 0 : i32
        %dma_start3A_99 = tpu.memref_slice %arg9[%mul3A_46, %dma_start3A_98] : memref<78x128xi32, #tpu.memory_space<vmem>> -> memref<1x128xi32, #tpu.memory_space<vmem>>
        %dma_start3A_100 = tpu.memref_squeeze %dma_start3A_99 : memref<1x128xi32, #tpu.memory_space<vmem>> -> memref<128xi32, #tpu.memory_space<vmem>>
        %dma_start3A_101 = arith.constant 0 : i32
        %dma_start3A_102 = arith.constant 0 : i32
        %dma_start3A_103 = tpu.memref_slice %arg7[%dma_start3A_101, %dma_start3A_102] : memref<10000x128xbf16, #tpu.memory_space<vmem_shared>> -> memref<10000x128xbf16, #tpu.memory_space<vmem_shared>>
        tpu.enqueue_indirect_dma source(%dma_start3A_97 : memref<128x128xbf16, #tpu.memory_space<vmem>>) target(%dma_start3A_103 : memref<10000x128xbf16, #tpu.memory_space<vmem_shared>>) offsets(%dma_start3A_100 : memref<128xi32, #tpu.memory_space<vmem>>) semaphore(%run_scoped3A_93 : memref<!tpu.dma_semaphore, #tpu.memory_space<semaphore_mem>>) {add = true}
        %dma_wait3A_104 = arith.constant 0 : i32
        %dma_wait3A_105 = arith.constant 0 : i32
        %dma_wait3A_106 = tpu.memref_slice %arg10[%run_scoped3A, %dma_wait3A_104, %dma_wait3A_105] : memref<2x128x128xbf16, #tpu.memory_space<vmem>> -> memref<1x128x128xbf16, #tpu.memory_space<vmem>>
        %dma_wait3A_107 = tpu.memref_squeeze %dma_wait3A_106 : memref<1x128x128xbf16, #tpu.memory_space<vmem>> -> memref<128x128xbf16, #tpu.memory_space<vmem>>
        %dma_wait3A_108 = arith.constant 0 : i32
        %dma_wait3A_109 = tpu.memref_slice %arg9[%mul3A_46, %dma_wait3A_108] : memref<78x128xi32, #tpu.memory_space<vmem>> -> memref<1x128xi32, #tpu.memory_space<vmem>>
        %dma_wait3A_110 = tpu.memref_squeeze %dma_wait3A_109 : memref<1x128xi32, #tpu.memory_space<vmem>> -> memref<128xi32, #tpu.memory_space<vmem>>
        %dma_wait3A_111 = arith.constant 0 : i32
        %dma_wait3A_112 = arith.constant 0 : i32
        %dma_wait3A_113 = tpu.memref_slice %arg7[%dma_wait3A_111, %dma_wait3A_112] : memref<10000x128xbf16, #tpu.memory_space<vmem_shared>> -> memref<10000x128xbf16, #tpu.memory_space<vmem_shared>>
        tpu.wait_indirect_dma semaphore(%run_scoped3A_93 : memref<!tpu.dma_semaphore, #tpu.memory_space<semaphore_mem>>) src(%dma_wait3A_107 : memref<128x128xbf16, #tpu.memory_space<vmem>>) dst(%dma_wait3A_113 : memref<10000x128xbf16, #tpu.memory_space<vmem_shared>>)
        tpu.yield
      }) : () -> ()
      %add3A_63 = arith.constant 2 : i32
      %add3A_64 = arith.addi %mul3A_46, %add3A_63 : i32
      %lt3A_65 = arith.constant 78 : i32
      %lt3A_66 = arith.cmpi slt, %add3A_64, %lt3A_65 : i32
      %convert_element_type3A_67 = arith.extui %lt3A_66 : i1 to i32
      %cond3A_68 = arith.constant 0 : i32
      %cond3A_69 = arith.cmpi ne, %convert_element_type3A_67, %cond3A_68 : i32
      scf.if %cond3A_69 {
        %add3A_93 = arith.constant 2 : i32
        %add3A_94 = arith.addi %mul3A_46, %add3A_93 : i32
        %dma_start3A_95 = arith.constant 0 : i32
        %dma_start3A_96 = arith.constant 0 : i32
        %dma_start3A_97 = arith.constant 0 : i32
        %dma_start3A_98 = tpu.memref_slice %arg10[%dma_start3A_95, %dma_start3A_96, %dma_start3A_97] : memref<2x128x128xbf16, #tpu.memory_space<vmem>> -> memref<1x128x128xbf16, #tpu.memory_space<vmem>>
        %dma_start3A_99 = tpu.memref_squeeze %dma_start3A_98 : memref<1x128x128xbf16, #tpu.memory_space<vmem>> -> memref<128x128xbf16, #tpu.memory_space<vmem>>
        %dma_start3A_100 = arith.constant 0 : i32
        %dma_start3A_101 = tpu.memref_slice %arg8[%add3A_94, %dma_start3A_100] : memref<78x128xi32, #tpu.memory_space<vmem>> -> memref<1x128xi32, #tpu.memory_space<vmem>>
        %dma_start3A_102 = tpu.memref_squeeze %dma_start3A_101 : memref<1x128xi32, #tpu.memory_space<vmem>> -> memref<128xi32, #tpu.memory_space<vmem>>
        %dma_start3A_103 = arith.constant 0 : i32
        %dma_start3A_104 = arith.constant 0 : i32
        %dma_start3A_105 = tpu.memref_slice %arg2[%dma_start3A_103, %dma_start3A_104] : memref<10000x128xbf16, #tpu.memory_space<hbm>> -> memref<10000x128xbf16, #tpu.memory_space<hbm>>
        tpu.enqueue_indirect_dma source(%dma_start3A_105 : memref<10000x128xbf16, #tpu.memory_space<hbm>>) target(%dma_start3A_99 : memref<128x128xbf16, #tpu.memory_space<vmem>>) offsets(%dma_start3A_102 : memref<128xi32, #tpu.memory_space<vmem>>) semaphore(%arg13 : memref<!tpu.dma_semaphore, #tpu.memory_space<semaphore_mem>>)
      } else {
      }
      %dma_wait3A_70 = arith.constant 1 : i32
      %dma_wait3A_71 = arith.constant 0 : i32
      %dma_wait3A_72 = arith.constant 0 : i32
      %dma_wait3A_73 = tpu.memref_slice %arg10[%dma_wait3A_70, %dma_wait3A_71, %dma_wait3A_72] : memref<2x128x128xbf16, #tpu.memory_space<vmem>> -> memref<1x128x128xbf16, #tpu.memory_space<vmem>>
      %dma_wait3A_74 = tpu.memref_squeeze %dma_wait3A_73 : memref<1x128x128xbf16, #tpu.memory_space<vmem>> -> memref<128x128xbf16, #tpu.memory_space<vmem>>
      %dma_wait3A_75 = arith.constant 0 : i32
      %dma_wait3A_76 = arith.constant 0 : i32
      %dma_wait3A_77 = tpu.memref_slice %arg2[%dma_wait3A_75, %dma_wait3A_76] : memref<10000x128xbf16, #tpu.memory_space<hbm>> -> memref<128x128xbf16, #tpu.memory_space<hbm>>
      %dma_wait3A_78 = arith.constant 0 : i32
      %dma_wait3A_79 = arith.constant 0 : i32
      %dma_wait3A_80 = tpu.memref_slice %arg10[%dma_wait3A_70, %dma_wait3A_78, %dma_wait3A_79] : memref<2x128x128xbf16, #tpu.memory_space<vmem>> -> memref<1x128x128xbf16, #tpu.memory_space<vmem>>
      %dma_wait3A_81 = tpu.memref_squeeze %dma_wait3A_80 : memref<1x128x128xbf16, #tpu.memory_space<vmem>> -> memref<128x128xbf16, #tpu.memory_space<vmem>>
      %dma_wait3A_82 = arith.constant 0 : i32
      %dma_wait3A_83 = arith.constant 0 : i32
      %dma_wait3A_84 = tpu.memref_slice %arg2[%dma_wait3A_82, %dma_wait3A_83] : memref<10000x128xbf16, #tpu.memory_space<hbm>> -> memref<128x128xbf16, #tpu.memory_space<hbm>>
      tpu.wait_dma2 semaphore(%arg14 : memref<!tpu.dma_semaphore, #tpu.memory_space<semaphore_mem>>) src(%dma_wait3A_84 : memref<128x128xbf16, #tpu.memory_space<hbm>>) dst(%dma_wait3A_81 : memref<128x128xbf16, #tpu.memory_space<vmem>>)
      %run_scoped3A_85 = arith.constant 1 : i32
      "tpu.region"() ({
        %run_scoped3A_93 = tpu.sem_alloc : memref<!tpu.dma_semaphore, #tpu.memory_space<semaphore_mem>>
        %dma_start3A_94 = arith.constant 0 : i32
        %dma_start3A_95 = arith.constant 0 : i32
        %dma_start3A_96 = tpu.memref_slice %arg10[%run_scoped3A_85, %dma_start3A_94, %dma_start3A_95] : memref<2x128x128xbf16, #tpu.memory_space<vmem>> -> memref<1x128x128xbf16, #tpu.memory_space<vmem>>
        %dma_start3A_97 = tpu.memref_squeeze %dma_start3A_96 : memref<1x128x128xbf16, #tpu.memory_space<vmem>> -> memref<128x128xbf16, #tpu.memory_space<vmem>>
        %dma_start3A_98 = arith.constant 0 : i32
        %dma_start3A_99 = tpu.memref_slice %arg9[%add3A_48, %dma_start3A_98] : memref<78x128xi32, #tpu.memory_space<vmem>> -> memref<1x128xi32, #tpu.memory_space<vmem>>
        %dma_start3A_100 = tpu.memref_squeeze %dma_start3A_99 : memref<1x128xi32, #tpu.memory_space<vmem>> -> memref<128xi32, #tpu.memory_space<vmem>>
        %dma_start3A_101 = arith.constant 0 : i32
        %dma_start3A_102 = arith.constant 0 : i32
        %dma_start3A_103 = tpu.memref_slice %arg7[%dma_start3A_101, %dma_start3A_102] : memref<10000x128xbf16, #tpu.memory_space<vmem_shared>> -> memref<10000x128xbf16, #tpu.memory_space<vmem_shared>>
        tpu.enqueue_indirect_dma source(%dma_start3A_97 : memref<128x128xbf16, #tpu.memory_space<vmem>>) target(%dma_start3A_103 : memref<10000x128xbf16, #tpu.memory_space<vmem_shared>>) offsets(%dma_start3A_100 : memref<128xi32, #tpu.memory_space<vmem>>) semaphore(%run_scoped3A_93 : memref<!tpu.dma_semaphore, #tpu.memory_space<semaphore_mem>>) {add = true}
        %dma_wait3A_104 = arith.constant 0 : i32
        %dma_wait3A_105 = arith.constant 0 : i32
        %dma_wait3A_106 = tpu.memref_slice %arg10[%run_scoped3A_85, %dma_wait3A_104, %dma_wait3A_105] : memref<2x128x128xbf16, #tpu.memory_space<vmem>> -> memref<1x128x128xbf16, #tpu.memory_space<vmem>>
        %dma_wait3A_107 = tpu.memref_squeeze %dma_wait3A_106 : memref<1x128x128xbf16, #tpu.memory_space<vmem>> -> memref<128x128xbf16, #tpu.memory_space<vmem>>
        %dma_wait3A_108 = arith.constant 0 : i32
        %dma_wait3A_109 = tpu.memref_slice %arg9[%add3A_48, %dma_wait3A_108] : memref<78x128xi32, #tpu.memory_space<vmem>> -> memref<1x128xi32, #tpu.memory_space<vmem>>
        %dma_wait3A_110 = tpu.memref_squeeze %dma_wait3A_109 : memref<1x128xi32, #tpu.memory_space<vmem>> -> memref<128xi32, #tpu.memory_space<vmem>>
        %dma_wait3A_111 = arith.constant 0 : i32
        %dma_wait3A_112 = arith.constant 0 : i32
        %dma_wait3A_113 = tpu.memref_slice %arg7[%dma_wait3A_111, %dma_wait3A_112] : memref<10000x128xbf16, #tpu.memory_space<vmem_shared>> -> memref<10000x128xbf16, #tpu.memory_space<vmem_shared>>
        tpu.wait_indirect_dma semaphore(%run_scoped3A_93 : memref<!tpu.dma_semaphore, #tpu.memory_space<semaphore_mem>>) src(%dma_wait3A_107 : memref<128x128xbf16, #tpu.memory_space<vmem>>) dst(%dma_wait3A_113 : memref<10000x128xbf16, #tpu.memory_space<vmem_shared>>)
        tpu.yield
      }) : () -> ()
      %add3A_86 = arith.constant 2 : i32
      %add3A_87 = arith.addi %add3A_48, %add3A_86 : i32
      %lt3A_88 = arith.constant 78 : i32
      %lt3A_89 = arith.cmpi slt, %add3A_87, %lt3A_88 : i32
      %convert_element_type3A_90 = arith.extui %lt3A_89 : i1 to i32
      %cond3A_91 = arith.constant 0 : i32
      %cond3A_92 = arith.cmpi ne, %convert_element_type3A_90, %cond3A_91 : i32
      scf.if %cond3A_92 {
        %add3A_93 = arith.constant 2 : i32
        %add3A_94 = arith.addi %add3A_48, %add3A_93 : i32
        %dma_start3A_95 = arith.constant 1 : i32
        %dma_start3A_96 = arith.constant 0 : i32
        %dma_start3A_97 = arith.constant 0 : i32
        %dma_start3A_98 = tpu.memref_slice %arg10[%dma_start3A_95, %dma_start3A_96, %dma_start3A_97] : memref<2x128x128xbf16, #tpu.memory_space<vmem>> -> memref<1x128x128xbf16, #tpu.memory_space<vmem>>
        %dma_start3A_99 = tpu.memref_squeeze %dma_start3A_98 : memref<1x128x128xbf16, #tpu.memory_space<vmem>> -> memref<128x128xbf16, #tpu.memory_space<vmem>>
        %dma_start3A_100 = arith.constant 0 : i32
        %dma_start3A_101 = tpu.memref_slice %arg8[%add3A_94, %dma_start3A_100] : memref<78x128xi32, #tpu.memory_space<vmem>> -> memref<1x128xi32, #tpu.memory_space<vmem>>
        %dma_start3A_102 = tpu.memref_squeeze %dma_start3A_101 : memref<1x128xi32, #tpu.memory_space<vmem>> -> memref<128xi32, #tpu.memory_space<vmem>>
        %dma_start3A_103 = arith.constant 0 : i32
        %dma_start3A_104 = arith.constant 0 : i32
        %dma_start3A_105 = tpu.memref_slice %arg2[%dma_start3A_103, %dma_start3A_104] : memref<10000x128xbf16, #tpu.memory_space<hbm>> -> memref<10000x128xbf16, #tpu.memory_space<hbm>>
        tpu.enqueue_indirect_dma source(%dma_start3A_105 : memref<10000x128xbf16, #tpu.memory_space<hbm>>) target(%dma_start3A_99 : memref<128x128xbf16, #tpu.memory_space<vmem>>) offsets(%dma_start3A_102 : memref<128xi32, #tpu.memory_space<vmem>>) semaphore(%arg14 : memref<!tpu.dma_semaphore, #tpu.memory_space<semaphore_mem>>)
      } else {
      }
    }
    %scan3A_38 = arith.constant 39 : i32
    %lt3A = arith.constant 4 : i32
    %lt3A_39 = arith.cmpi slt, %add3A, %lt3A : i32
    %convert_element_type3A_40 = arith.extui %lt3A_39 : i1 to i32
    %cond3A_41 = arith.constant 0 : i32
    %cond3A_42 = arith.cmpi ne, %convert_element_type3A_40, %cond3A_41 : i32
    scf.if %cond3A_42 {
      %add3A_44 = arith.constant 2496 : i32
      %add3A_45 = arith.addi %add3A_44, %add3A : i32
      "tpu.region"() ({
        %run_scoped3A_73 = tpu.sem_alloc : memref<!tpu.dma_semaphore, #tpu.memory_space<semaphore_mem>>
        %dma_start3A_74 = arith.constant 0 : i32
        %dma_start3A_75 = tpu.memref_slice %arg3[%add3A_45, %dma_start3A_74] : memref<2500x128xi32, #tpu.memory_space<hbm>> -> memref<1x128xi32, #tpu.memory_space<hbm>>
        %dma_start3A_76 = arith.constant 0 : i32
        %dma_start3A_77 = tpu.memref_slice %arg3[%add3A_45, %dma_start3A_76] : memref<2500x128xi32, #tpu.memory_space<hbm>> -> memref<1x128xi32, #tpu.memory_space<hbm>>
        tpu.enqueue_dma source(%dma_start3A_77 : memref<1x128xi32, #tpu.memory_space<hbm>>) target(%arg11 : memref<1x128xi32, #tpu.memory_space<vmem>>) target_semaphore(%run_scoped3A_73 : memref<!tpu.dma_semaphore, #tpu.memory_space<semaphore_mem>>)
        %dma_wait3A_78 = arith.constant 0 : i32
        %dma_wait3A_79 = tpu.memref_slice %arg3[%add3A_45, %dma_wait3A_78] : memref<2500x128xi32, #tpu.memory_space<hbm>> -> memref<1x128xi32, #tpu.memory_space<hbm>>
        %dma_wait3A_80 = arith.constant 0 : i32
        %dma_wait3A_81 = tpu.memref_slice %arg3[%add3A_45, %dma_wait3A_80] : memref<2500x128xi32, #tpu.memory_space<hbm>> -> memref<1x128xi32, #tpu.memory_space<hbm>>
        tpu.wait_dma2 semaphore(%run_scoped3A_73 : memref<!tpu.dma_semaphore, #tpu.memory_space<semaphore_mem>>) src(%dma_wait3A_81 : memref<1x128xi32, #tpu.memory_space<hbm>>) dst(%arg11 : memref<1x128xi32, #tpu.memory_space<vmem>>)
        tpu.yield
      }) : () -> ()
      "tpu.region"() ({
        %run_scoped3A_73 = tpu.sem_alloc : memref<!tpu.dma_semaphore, #tpu.memory_space<semaphore_mem>>
        %dma_start3A_74 = arith.constant 0 : i32
        %dma_start3A_75 = tpu.memref_slice %arg4[%add3A_45, %dma_start3A_74] : memref<2500x128xi32, #tpu.memory_space<hbm>> -> memref<1x128xi32, #tpu.memory_space<hbm>>
        %dma_start3A_76 = arith.constant 0 : i32
        %dma_start3A_77 = tpu.memref_slice %arg4[%add3A_45, %dma_start3A_76] : memref<2500x128xi32, #tpu.memory_space<hbm>> -> memref<1x128xi32, #tpu.memory_space<hbm>>
        tpu.enqueue_dma source(%dma_start3A_77 : memref<1x128xi32, #tpu.memory_space<hbm>>) target(%arg12 : memref<1x128xi32, #tpu.memory_space<vmem>>) target_semaphore(%run_scoped3A_73 : memref<!tpu.dma_semaphore, #tpu.memory_space<semaphore_mem>>)
        %dma_wait3A_78 = arith.constant 0 : i32
        %dma_wait3A_79 = tpu.memref_slice %arg4[%add3A_45, %dma_wait3A_78] : memref<2500x128xi32, #tpu.memory_space<hbm>> -> memref<1x128xi32, #tpu.memory_space<hbm>>
        %dma_wait3A_80 = arith.constant 0 : i32
        %dma_wait3A_81 = tpu.memref_slice %arg4[%add3A_45, %dma_wait3A_80] : memref<2500x128xi32, #tpu.memory_space<hbm>> -> memref<1x128xi32, #tpu.memory_space<hbm>>
        tpu.wait_dma2 semaphore(%run_scoped3A_73 : memref<!tpu.dma_semaphore, #tpu.memory_space<semaphore_mem>>) src(%dma_wait3A_81 : memref<1x128xi32, #tpu.memory_space<hbm>>) dst(%arg12 : memref<1x128xi32, #tpu.memory_space<vmem>>)
        tpu.yield
      }) : () -> ()
      %dma_start3A_46 = arith.constant 0 : i32
      %dma_start3A_47 = arith.constant 0 : i32
      %dma_start3A_48 = arith.constant 0 : i32
      %dma_start3A_49 = arith.constant 0 : i32
      %dma_start3A_50 = tpu.memref_slice %arg10[%dma_start3A_47, %dma_start3A_48, %dma_start3A_49] : memref<2x128x128xbf16, #tpu.memory_space<vmem>> -> memref<1x128x128xbf16, #tpu.memory_space<vmem>>
      %dma_start3A_51 = tpu.memref_squeeze %dma_start3A_50 : memref<1x128x128xbf16, #tpu.memory_space<vmem>> -> memref<128x128xbf16, #tpu.memory_space<vmem>>
      %dma_start3A_52 = arith.constant 0 : i32
      %dma_start3A_53 = tpu.memref_slice %arg11[%dma_start3A_46, %dma_start3A_52] : memref<1x128xi32, #tpu.memory_space<vmem>> -> memref<1x128xi32, #tpu.memory_space<vmem>>
      %dma_start3A_54 = tpu.memref_squeeze %dma_start3A_53 : memref<1x128xi32, #tpu.memory_space<vmem>> -> memref<128xi32, #tpu.memory_space<vmem>>
      %dma_start3A_55 = arith.constant 0 : i32
      %dma_start3A_56 = arith.constant 0 : i32
      %dma_start3A_57 = tpu.memref_slice %arg2[%dma_start3A_55, %dma_start3A_56] : memref<10000x128xbf16, #tpu.memory_space<hbm>> -> memref<10000x128xbf16, #tpu.memory_space<hbm>>
      tpu.enqueue_indirect_dma source(%dma_start3A_57 : memref<10000x128xbf16, #tpu.memory_space<hbm>>) target(%dma_start3A_51 : memref<128x128xbf16, #tpu.memory_space<vmem>>) offsets(%dma_start3A_54 : memref<128xi32, #tpu.memory_space<vmem>>) semaphore(%arg13 : memref<!tpu.dma_semaphore, #tpu.memory_space<semaphore_mem>>)
      %dma_wait3A = arith.constant 0 : i32
      %dma_wait3A_58 = arith.constant 0 : i32
      %dma_wait3A_59 = arith.constant 0 : i32
      %dma_wait3A_60 = tpu.memref_slice %arg10[%dma_wait3A, %dma_wait3A_58, %dma_wait3A_59] : memref<2x128x128xbf16, #tpu.memory_space<vmem>> -> memref<1x128x128xbf16, #tpu.memory_space<vmem>>
      %dma_wait3A_61 = tpu.memref_squeeze %dma_wait3A_60 : memref<1x128x128xbf16, #tpu.memory_space<vmem>> -> memref<128x128xbf16, #tpu.memory_space<vmem>>
      %dma_wait3A_62 = arith.constant 0 : i32
      %dma_wait3A_63 = arith.constant 0 : i32
      %dma_wait3A_64 = tpu.memref_slice %arg2[%dma_wait3A_62, %dma_wait3A_63] : memref<10000x128xbf16, #tpu.memory_space<hbm>> -> memref<128x128xbf16, #tpu.memory_space<hbm>>
      %dma_wait3A_65 = arith.constant 0 : i32
      %dma_wait3A_66 = arith.constant 0 : i32
      %dma_wait3A_67 = tpu.memref_slice %arg10[%dma_wait3A, %dma_wait3A_65, %dma_wait3A_66] : memref<2x128x128xbf16, #tpu.memory_space<vmem>> -> memref<1x128x128xbf16, #tpu.memory_space<vmem>>
      %dma_wait3A_68 = tpu.memref_squeeze %dma_wait3A_67 : memref<1x128x128xbf16, #tpu.memory_space<vmem>> -> memref<128x128xbf16, #tpu.memory_space<vmem>>
      %dma_wait3A_69 = arith.constant 0 : i32
      %dma_wait3A_70 = arith.constant 0 : i32
      %dma_wait3A_71 = tpu.memref_slice %arg2[%dma_wait3A_69, %dma_wait3A_70] : memref<10000x128xbf16, #tpu.memory_space<hbm>> -> memref<128x128xbf16, #tpu.memory_space<hbm>>
      tpu.wait_dma2 semaphore(%arg13 : memref<!tpu.dma_semaphore, #tpu.memory_space<semaphore_mem>>) src(%dma_wait3A_71 : memref<128x128xbf16, #tpu.memory_space<hbm>>) dst(%dma_wait3A_68 : memref<128x128xbf16, #tpu.memory_space<vmem>>)
      %run_scoped3A = arith.constant 0 : i32
      %run_scoped3A_72 = arith.constant 0 : i32
      "tpu.region"() ({
        %run_scoped3A_73 = tpu.sem_alloc : memref<!tpu.dma_semaphore, #tpu.memory_space<semaphore_mem>>
        %dma_start3A_74 = arith.constant 0 : i32
        %dma_start3A_75 = arith.constant 0 : i32
        %dma_start3A_76 = tpu.memref_slice %arg10[%run_scoped3A, %dma_start3A_74, %dma_start3A_75] : memref<2x128x128xbf16, #tpu.memory_space<vmem>> -> memref<1x128x128xbf16, #tpu.memory_space<vmem>>
        %dma_start3A_77 = tpu.memref_squeeze %dma_start3A_76 : memref<1x128x128xbf16, #tpu.memory_space<vmem>> -> memref<128x128xbf16, #tpu.memory_space<vmem>>
        %dma_start3A_78 = arith.constant 0 : i32
        %dma_start3A_79 = tpu.memref_slice %arg12[%run_scoped3A_72, %dma_start3A_78] : memref<1x128xi32, #tpu.memory_space<vmem>> -> memref<1x128xi32, #tpu.memory_space<vmem>>
        %dma_start3A_80 = tpu.memref_squeeze %dma_start3A_79 : memref<1x128xi32, #tpu.memory_space<vmem>> -> memref<128xi32, #tpu.memory_space<vmem>>
        %dma_start3A_81 = arith.constant 0 : i32
        %dma_start3A_82 = arith.constant 0 : i32
        %dma_start3A_83 = tpu.memref_slice %arg7[%dma_start3A_81, %dma_start3A_82] : memref<10000x128xbf16, #tpu.memory_space<vmem_shared>> -> memref<10000x128xbf16, #tpu.memory_space<vmem_shared>>
        tpu.enqueue_indirect_dma source(%dma_start3A_77 : memref<128x128xbf16, #tpu.memory_space<vmem>>) target(%dma_start3A_83 : memref<10000x128xbf16, #tpu.memory_space<vmem_shared>>) offsets(%dma_start3A_80 : memref<128xi32, #tpu.memory_space<vmem>>) semaphore(%run_scoped3A_73 : memref<!tpu.dma_semaphore, #tpu.memory_space<semaphore_mem>>) {add = true}
        %dma_wait3A_84 = arith.constant 0 : i32
        %dma_wait3A_85 = arith.constant 0 : i32
        %dma_wait3A_86 = tpu.memref_slice %arg10[%run_scoped3A, %dma_wait3A_84, %dma_wait3A_85] : memref<2x128x128xbf16, #tpu.memory_space<vmem>> -> memref<1x128x128xbf16, #tpu.memory_space<vmem>>
        %dma_wait3A_87 = tpu.memref_squeeze %dma_wait3A_86 : memref<1x128x128xbf16, #tpu.memory_space<vmem>> -> memref<128x128xbf16, #tpu.memory_space<vmem>>
        %dma_wait3A_88 = arith.constant 0 : i32
        %dma_wait3A_89 = tpu.memref_slice %arg12[%run_scoped3A_72, %dma_wait3A_88] : memref<1x128xi32, #tpu.memory_space<vmem>> -> memref<1x128xi32, #tpu.memory_space<vmem>>
        %dma_wait3A_90 = tpu.memref_squeeze %dma_wait3A_89 : memref<1x128xi32, #tpu.memory_space<vmem>> -> memref<128xi32, #tpu.memory_space<vmem>>
        %dma_wait3A_91 = arith.constant 0 : i32
        %dma_wait3A_92 = arith.constant 0 : i32
        %dma_wait3A_93 = tpu.memref_slice %arg7[%dma_wait3A_91, %dma_wait3A_92] : memref<10000x128xbf16, #tpu.memory_space<vmem_shared>> -> memref<10000x128xbf16, #tpu.memory_space<vmem_shared>>
        tpu.wait_indirect_dma semaphore(%run_scoped3A_73 : memref<!tpu.dma_semaphore, #tpu.memory_space<semaphore_mem>>) src(%dma_wait3A_87 : memref<128x128xbf16, #tpu.memory_space<vmem>>) dst(%dma_wait3A_93 : memref<10000x128xbf16, #tpu.memory_space<vmem_shared>>)
        tpu.yield
      }) : () -> ()
    } else {
    }
    %barrier3A_43 = arith.constant 0 : index
    tpu.barrier barrier_id(%barrier3A_43)
    "tpu.region"() ({
      %run_scoped3A = tpu.sem_alloc : memref<!tpu.dma_semaphore, #tpu.memory_space<semaphore_mem>>
      %dma_start3A_44 = arith.constant 0 : i32
      %dma_start3A_45 = tpu.memref_slice %arg6[%arg0, %mul3A_2, %dma_start3A_44] : memref<2x10000x128xbf16, #tpu.memory_space<hbm>> -> memref<1x625x128xbf16, #tpu.memory_space<hbm>>
      %dma_start3A_46 = tpu.memref_squeeze %dma_start3A_45 : memref<1x625x128xbf16, #tpu.memory_space<hbm>> -> memref<625x128xbf16, #tpu.memory_space<hbm>>
      %dma_start3A_47 = arith.constant 0 : i32
      %dma_start3A_48 = tpu.memref_slice %arg7[%mul3A_2, %dma_start3A_47] : memref<10000x128xbf16, #tpu.memory_space<vmem_shared>> -> memref<625x128xbf16, #tpu.memory_space<vmem_shared>>
      tpu.enqueue_dma source(%dma_start3A_48 : memref<625x128xbf16, #tpu.memory_space<vmem_shared>>) target(%dma_start3A_46 : memref<625x128xbf16, #tpu.memory_space<hbm>>) target_semaphore(%run_scoped3A : memref<!tpu.dma_semaphore, #tpu.memory_space<semaphore_mem>>)
      %dma_wait3A = arith.constant 0 : i32
      %dma_wait3A_49 = tpu.memref_slice %arg6[%arg0, %mul3A_2, %dma_wait3A] : memref<2x10000x128xbf16, #tpu.memory_space<hbm>> -> memref<1x625x128xbf16, #tpu.memory_space<hbm>>
      %dma_wait3A_50 = tpu.memref_squeeze %dma_wait3A_49 : memref<1x625x128xbf16, #tpu.memory_space<hbm>> -> memref<625x128xbf16, #tpu.memory_space<hbm>>
      %dma_wait3A_51 = arith.constant 0 : i32
      %dma_wait3A_52 = tpu.memref_slice %arg7[%mul3A_2, %dma_wait3A_51] : memref<10000x128xbf16, #tpu.memory_space<vmem_shared>> -> memref<625x128xbf16, #tpu.memory_space<vmem_shared>>
      tpu.wait_dma2 semaphore(%run_scoped3A : memref<!tpu.dma_semaphore, #tpu.memory_space<semaphore_mem>>) src(%dma_wait3A_52 : memref<625x128xbf16, #tpu.memory_space<vmem_shared>>) dst(%dma_wait3A_50 : memref<625x128xbf16, #tpu.memory_space<hbm>>)
      tpu.yield
    }) : () -> ()
    return
  }
}

module attributes {stable_mosaic.version = 14 : i64} {
  func.func @_mm_scale_body(%arg0: i32, %arg1: memref<32x10000xf32, #tpu.memory_space<vmem>>, %arg2: memref<10000x128xf32, #tpu.memory_space<vmem>>, %arg3: memref<128x128xf32, #tpu.memory_space<vmem>>, %arg4: memref<10000x128xbf16, #tpu.memory_space<vmem>>, %arg5: memref<10000x1xf32, #tpu.memory_space<vmem>>) attributes {dimension_semantics = [#tpu.dimension_semantics<arbitrary>], iteration_bounds = array<i64: 1>, scalar_prefetch = 0 : i64, scratch_operands = 0 : i64, tpu.core_type = #tpu.core_type<tc>, window_params = [{pipeline_mode = #tpu.pipeline_mode<synchronous>, transform_indices = @transform_0, window_bounds = array<i64: 32, 10000>}, {pipeline_mode = #tpu.pipeline_mode<synchronous>, transform_indices = @transform_1, window_bounds = array<i64: 10000, 128>}, {pipeline_mode = #tpu.pipeline_mode<synchronous>, transform_indices = @transform_2, window_bounds = array<i64: 128, 128>}, {pipeline_mode = #tpu.pipeline_mode<synchronous>, transform_indices = @transform_3, window_bounds = array<i64: 10000, 128>}, {pipeline_mode = #tpu.pipeline_mode<synchronous>, transform_indices = @transform_4, window_bounds = array<i64: 10000, 1>}]} {
    %get3A = arith.constant 0 : index
    %get3A_0 = arith.constant 0 : index
    %get3A_1 = vector.load %arg1[%get3A, %get3A_0] : memref<32x10000xf32, #tpu.memory_space<vmem>>, vector<32x10000xf32>
    %reduce_sum3A = arith.constant dense<0.000000e+00> : vector<10000xf32>
    %reduce_sum3A_2 = vector.multi_reduction <add>, %get3A_1, %reduce_sum3A [0] : vector<32x10000xf32> to vector<10000xf32>
    %add3A = arith.constant 1.000000e+00 : f32
    %add3A_3 = vector.broadcast %add3A : f32 to vector<10000xf32>
    %add3A_4 = arith.addf %reduce_sum3A_2, %add3A_3 : vector<10000xf32>
    %rsqrt3A = math.rsqrt %add3A_4 : vector<10000xf32>
    %broadcast_in_dim3A = vector.shape_cast %rsqrt3A : vector<10000xf32> to vector<10000x1xf32>
    %get3A_5 = arith.constant 0 : index
    %get3A_6 = arith.constant 0 : index
    %get3A_7 = vector.load %arg2[%get3A_5, %get3A_6] : memref<10000x128xf32, #tpu.memory_space<vmem>>, vector<10000x128xf32>
    %get3A_8 = arith.constant 0 : index
    %get3A_9 = arith.constant 0 : index
    %get3A_10 = vector.load %arg3[%get3A_8, %get3A_9] : memref<128x128xf32, #tpu.memory_space<vmem>>, vector<128x128xf32>
    %dot_general3A = arith.constant dense<0.000000e+00> : vector<10000x128xf32>
    %dot_general3A_11 = tpu.matmul %get3A_7, %get3A_10, %dot_general3A {dimension_numbers = #tpu.dot_dimension_numbers<[1], [0], [0], [1], [0, 0, 1, 1], [], []>, transpose_lhs_hint = false} : vector<10000x128xf32>, vector<128x128xf32>, vector<10000x128xf32> -> vector<10000x128xf32>
    %mul3A = vector.broadcast %broadcast_in_dim3A : vector<10000x1xf32> to vector<10000x128xf32>
    %mul3A_12 = arith.mulf %dot_general3A_11, %mul3A : vector<10000x128xf32>
    %convert_element_type3A = arith.truncf %mul3A_12 : vector<10000x128xf32> to vector<10000x128xbf16>
    %swap3A = arith.constant 0 : index
    %swap3A_13 = arith.constant 0 : index
    %swap3A_14 = vector.load %arg4[%swap3A, %swap3A_13] : memref<10000x128xbf16, #tpu.memory_space<vmem>>, vector<10000x128xbf16>
    tpu.vector_store %arg4[%swap3A, %swap3A_13], %convert_element_type3A {strides = array<i32>} : memref<10000x128xbf16, #tpu.memory_space<vmem>>, vector<10000x128xbf16>,
    %swap3A_15 = arith.constant 0 : index
    %swap3A_16 = arith.constant 0 : index
    %swap3A_17 = vector.load %arg5[%swap3A_15, %swap3A_16] : memref<10000x1xf32, #tpu.memory_space<vmem>>, vector<10000x1xf32>
    tpu.vector_store %arg5[%swap3A_15, %swap3A_16], %broadcast_in_dim3A {strides = array<i32>} : memref<10000x1xf32, #tpu.memory_space<vmem>>, vector<10000x1xf32>,
    return
  }
  func.func @transform_0(%arg0: i32) -> (i32, i32) {
    %c0_i32 = arith.constant 0 : i32
    %c0_i32_0 = arith.constant 0 : i32
    %c0_i32_1 = arith.constant 0 : i32
    return %c0_i32, %c0_i32_0 : i32, i32
  }
  func.func @transform_1(%arg0: i32) -> (i32, i32) {
    %c0_i32 = arith.constant 0 : i32
    %c0_i32_0 = arith.constant 0 : i32
    %c0_i32_1 = arith.constant 0 : i32
    return %c0_i32, %c0_i32_0 : i32, i32
  }
  func.func @transform_2(%arg0: i32) -> (i32, i32) {
    %c0_i32 = arith.constant 0 : i32
    %c0_i32_0 = arith.constant 0 : i32
    %c0_i32_1 = arith.constant 0 : i32
    return %c0_i32, %c0_i32_0 : i32, i32
  }
  func.func @transform_3(%arg0: i32) -> (i32, i32) {
    %c0_i32 = arith.constant 0 : i32
    %c0_i32_0 = arith.constant 0 : i32
    %c0_i32_1 = arith.constant 0 : i32
    return %c0_i32, %c0_i32_0 : i32, i32
  }
  func.func @transform_4(%arg0: i32) -> (i32, i32) {
    %c0_i32 = arith.constant 0 : i32
    %c0_i32_0 = arith.constant 0 : i32
    %c0_i32_1 = arith.constant 0 : i32
    return %c0_i32, %c0_i32_0 : i32, i32
  }
}

module attributes {stable_mosaic.version = 14 : i64} {
  func.func @_mid_body(%arg0: i32, %arg1: memref<2x10000x128xbf16, #tpu.memory_space<vmem>>, %arg2: memref<10000x1xf32, #tpu.memory_space<vmem>>, %arg3: memref<1x128xf32, #tpu.memory_space<vmem>>, %arg4: memref<128x64xf32, #tpu.memory_space<vmem>>, %arg5: memref<10000x64xbf16, #tpu.memory_space<vmem>>) attributes {dimension_semantics = [#tpu.dimension_semantics<arbitrary>], iteration_bounds = array<i64: 1>, scalar_prefetch = 0 : i64, scratch_operands = 0 : i64, tpu.core_type = #tpu.core_type<tc>, window_params = [{pipeline_mode = #tpu.pipeline_mode<synchronous>, transform_indices = @transform_0, window_bounds = array<i64: 2, 10000, 128>}, {pipeline_mode = #tpu.pipeline_mode<synchronous>, transform_indices = @transform_1, window_bounds = array<i64: 10000, 1>}, {pipeline_mode = #tpu.pipeline_mode<synchronous>, transform_indices = @transform_2, window_bounds = array<i64: 1, 128>}, {pipeline_mode = #tpu.pipeline_mode<synchronous>, transform_indices = @transform_3, window_bounds = array<i64: 128, 64>}, {pipeline_mode = #tpu.pipeline_mode<synchronous>, transform_indices = @transform_4, window_bounds = array<i64: 10000, 64>}]} {
    %get3A = arith.constant 0 : index
    %get3A_0 = arith.constant 0 : index
    %get3A_1 = arith.constant 0 : index
    %get3A_2 = vector.load %arg1[%get3A, %get3A_0, %get3A_1] : memref<2x10000x128xbf16, #tpu.memory_space<vmem>>, vector<1x10000x128xbf16>
    %get3A_3 = vector.shape_cast %get3A_2 : vector<1x10000x128xbf16> to vector<10000x128xbf16>
    %convert_element_type3A = arith.extf %get3A_3 : vector<10000x128xbf16> to vector<10000x128xf32>
    %get3A_4 = arith.constant 1 : index
    %get3A_5 = arith.constant 0 : index
    %get3A_6 = arith.constant 0 : index
    %get3A_7 = vector.load %arg1[%get3A_4, %get3A_5, %get3A_6] : memref<2x10000x128xbf16, #tpu.memory_space<vmem>>, vector<1x10000x128xbf16>
    %get3A_8 = vector.shape_cast %get3A_7 : vector<1x10000x128xbf16> to vector<10000x128xbf16>
    %convert_element_type3A_9 = arith.extf %get3A_8 : vector<10000x128xbf16> to vector<10000x128xf32>
    %add3A = arith.addf %convert_element_type3A, %convert_element_type3A_9 : vector<10000x128xf32>
    %get3A_10 = arith.constant 0 : index
    %get3A_11 = arith.constant 0 : index
    %get3A_12 = vector.load %arg2[%get3A_10, %get3A_11] : memref<10000x1xf32, #tpu.memory_space<vmem>>, vector<10000x1xf32>
    %mul3A = vector.broadcast %get3A_12 : vector<10000x1xf32> to vector<10000x128xf32>
    %mul3A_13 = arith.mulf %add3A, %mul3A : vector<10000x128xf32>
    %get3A_14 = arith.constant 0 : index
    %get3A_15 = arith.constant 0 : index
    %get3A_16 = vector.load %arg3[%get3A_14, %get3A_15] : memref<1x128xf32, #tpu.memory_space<vmem>>, vector<1x128xf32>
    %add3A_17 = vector.broadcast %get3A_16 : vector<1x128xf32> to vector<10000x128xf32>
    %add3A_18 = arith.addf %mul3A_13, %add3A_17 : vector<10000x128xf32>
    %max3A = arith.constant 0.000000e+00 : f32
    %max3A_19 = vector.broadcast %max3A : f32 to vector<10000x128xf32>
    %max3A_20 = arith.maximumf %add3A_18, %max3A_19 : vector<10000x128xf32>
    %get3A_21 = arith.constant 0 : index
    %get3A_22 = arith.constant 0 : index
    %get3A_23 = vector.load %arg4[%get3A_21, %get3A_22] : memref<128x64xf32, #tpu.memory_space<vmem>>, vector<128x64xf32>
    %dot_general3A = arith.constant dense<0.000000e+00> : vector<10000x64xf32>
    %dot_general3A_24 = tpu.matmul %max3A_20, %get3A_23, %dot_general3A {dimension_numbers = #tpu.dot_dimension_numbers<[1], [0], [0], [1], [0, 0, 1, 1], [], []>, transpose_lhs_hint = false} : vector<10000x128xf32>, vector<128x64xf32>, vector<10000x64xf32> -> vector<10000x64xf32>
    %mul3A_25 = vector.broadcast %get3A_12 : vector<10000x1xf32> to vector<10000x64xf32>
    %mul3A_26 = arith.mulf %dot_general3A_24, %mul3A_25 : vector<10000x64xf32>
    %convert_element_type3A_27 = arith.truncf %mul3A_26 : vector<10000x64xf32> to vector<10000x64xbf16>
    %swap3A = arith.constant 0 : index
    %swap3A_28 = arith.constant 0 : index
    %swap3A_29 = vector.load %arg5[%swap3A, %swap3A_28] : memref<10000x64xbf16, #tpu.memory_space<vmem>>, vector<10000x64xbf16>
    tpu.vector_store %arg5[%swap3A, %swap3A_28], %convert_element_type3A_27 {strides = array<i32>} : memref<10000x64xbf16, #tpu.memory_space<vmem>>, vector<10000x64xbf16>,
    return
  }
  func.func @transform_0(%arg0: i32) -> (i32, i32, i32) {
    %c0_i32 = arith.constant 0 : i32
    %c0_i32_0 = arith.constant 0 : i32
    %c0_i32_1 = arith.constant 0 : i32
    %c0_i32_2 = arith.constant 0 : i32
    return %c0_i32, %c0_i32_0, %c0_i32_1 : i32, i32, i32
  }
  func.func @transform_1(%arg0: i32) -> (i32, i32) {
    %c0_i32 = arith.constant 0 : i32
    %c0_i32_0 = arith.constant 0 : i32
    %c0_i32_1 = arith.constant 0 : i32
    return %c0_i32, %c0_i32_0 : i32, i32
  }
  func.func @transform_2(%arg0: i32) -> (i32, i32) {
    %c0_i32 = arith.constant 0 : i32
    %c0_i32_0 = arith.constant 0 : i32
    %c0_i32_1 = arith.constant 0 : i32
    return %c0_i32, %c0_i32_0 : i32, i32
  }
  func.func @transform_3(%arg0: i32) -> (i32, i32) {
    %c0_i32 = arith.constant 0 : i32
    %c0_i32_0 = arith.constant 0 : i32
    %c0_i32_1 = arith.constant 0 : i32
    return %c0_i32, %c0_i32_0 : i32, i32
  }
  func.func @transform_4(%arg0: i32) -> (i32, i32) {
    %c0_i32 = arith.constant 0 : i32
    %c0_i32_0 = arith.constant 0 : i32
    %c0_i32_1 = arith.constant 0 : i32
    return %c0_i32, %c0_i32_0 : i32, i32
  }
}

module attributes {stable_mosaic.version = 14 : i64} {
  func.func @_fin_body(%arg0: i32, %arg1: memref<2x10000x64xbf16, #tpu.memory_space<vmem>>, %arg2: memref<10000x1xf32, #tpu.memory_space<vmem>>, %arg3: memref<1x64xf32, #tpu.memory_space<vmem>>, %arg4: memref<10000x64xf32, #tpu.memory_space<vmem>>) attributes {dimension_semantics = [#tpu.dimension_semantics<arbitrary>], iteration_bounds = array<i64: 1>, scalar_prefetch = 0 : i64, scratch_operands = 0 : i64, tpu.core_type = #tpu.core_type<tc>, window_params = [{pipeline_mode = #tpu.pipeline_mode<synchronous>, transform_indices = @transform_0, window_bounds = array<i64: 2, 10000, 64>}, {pipeline_mode = #tpu.pipeline_mode<synchronous>, transform_indices = @transform_1, window_bounds = array<i64: 10000, 1>}, {pipeline_mode = #tpu.pipeline_mode<synchronous>, transform_indices = @transform_2, window_bounds = array<i64: 1, 64>}, {pipeline_mode = #tpu.pipeline_mode<synchronous>, transform_indices = @transform_3, window_bounds = array<i64: 10000, 64>}]} {
    %get3A = arith.constant 0 : index
    %get3A_0 = arith.constant 0 : index
    %get3A_1 = arith.constant 0 : index
    %get3A_2 = vector.load %arg1[%get3A, %get3A_0, %get3A_1] : memref<2x10000x64xbf16, #tpu.memory_space<vmem>>, vector<1x10000x64xbf16>
    %get3A_3 = vector.shape_cast %get3A_2 : vector<1x10000x64xbf16> to vector<10000x64xbf16>
    %convert_element_type3A = arith.extf %get3A_3 : vector<10000x64xbf16> to vector<10000x64xf32>
    %get3A_4 = arith.constant 1 : index
    %get3A_5 = arith.constant 0 : index
    %get3A_6 = arith.constant 0 : index
    %get3A_7 = vector.load %arg1[%get3A_4, %get3A_5, %get3A_6] : memref<2x10000x64xbf16, #tpu.memory_space<vmem>>, vector<1x10000x64xbf16>
    %get3A_8 = vector.shape_cast %get3A_7 : vector<1x10000x64xbf16> to vector<10000x64xbf16>
    %convert_element_type3A_9 = arith.extf %get3A_8 : vector<10000x64xbf16> to vector<10000x64xf32>
    %add3A = arith.addf %convert_element_type3A, %convert_element_type3A_9 : vector<10000x64xf32>
    %get3A_10 = arith.constant 0 : index
    %get3A_11 = arith.constant 0 : index
    %get3A_12 = vector.load %arg2[%get3A_10, %get3A_11] : memref<10000x1xf32, #tpu.memory_space<vmem>>, vector<10000x1xf32>
    %mul3A = vector.broadcast %get3A_12 : vector<10000x1xf32> to vector<10000x64xf32>
    %mul3A_13 = arith.mulf %add3A, %mul3A : vector<10000x64xf32>
    %get3A_14 = arith.constant 0 : index
    %get3A_15 = arith.constant 0 : index
    %get3A_16 = vector.load %arg3[%get3A_14, %get3A_15] : memref<1x64xf32, #tpu.memory_space<vmem>>, vector<1x64xf32>
    %add3A_17 = vector.broadcast %get3A_16 : vector<1x64xf32> to vector<10000x64xf32>
    %add3A_18 = arith.addf %mul3A_13, %add3A_17 : vector<10000x64xf32>
    %swap3A = arith.constant 0 : index
    %swap3A_19 = arith.constant 0 : index
    %swap3A_20 = vector.load %arg4[%swap3A, %swap3A_19] : memref<10000x64xf32, #tpu.memory_space<vmem>>, vector<10000x64xf32>
    tpu.vector_store %arg4[%swap3A, %swap3A_19], %add3A_18 {strides = array<i32>} : memref<10000x64xf32, #tpu.memory_space<vmem>>, vector<10000x64xf32>,
    return
  }
  func.func @transform_0(%arg0: i32) -> (i32, i32, i32) {
    %c0_i32 = arith.constant 0 : i32
    %c0_i32_0 = arith.constant 0 : i32
    %c0_i32_1 = arith.constant 0 : i32
    %c0_i32_2 = arith.constant 0 : i32
    return %c0_i32, %c0_i32_0, %c0_i32_1 : i32, i32, i32
  }
  func.func @transform_1(%arg0: i32) -> (i32, i32) {
    %c0_i32 = arith.constant 0 : i32
    %c0_i32_0 = arith.constant 0 : i32
    %c0_i32_1 = arith.constant 0 : i32
    return %c0_i32, %c0_i32_0 : i32, i32
  }
  func.func @transform_2(%arg0: i32) -> (i32, i32) {
    %c0_i32 = arith.constant 0 : i32
    %c0_i32_0 = arith.constant 0 : i32
    %c0_i32_1 = arith.constant 0 : i32
    return %c0_i32, %c0_i32_0 : i32, i32
  }
  func.func @transform_3(%arg0: i32) -> (i32, i32) {
    %c0_i32 = arith.constant 0 : i32
    %c0_i32_0 = arith.constant 0 : i32
    %c0_i32_1 = arith.constant 0 : i32
    return %c0_i32, %c0_i32_0 : i32, i32
  }
}

</mosaic_0001>

<sc_bundles>
// kernel: kernel.11.cloned.1.call-start
scs
__scs_entry_jumppad:
0x0: {  	(pc) =	sbr.rel $0x88, $3  }
0x1: {  	(tag) =	ssettag $0x0;
	lr =	simm.s32 $0x1  }
0x2: {  	[smem:$0x3F9B] =	sst lr;
	_ =	strace $0xD0000000  }
0x3: {  	_ = 	snop  }
0x4: {  	_ = 	snop  }
0x5: {  	_ = 	snop  }
0x6: {  	_ = 	snop  }
0x7: {  	_ = 	snop  }
__scs_overlays_trampoline_lowered:
0x8: {  	[smem:$0x3FAA] =	sst s0  }
0x9: {  	[smem:$0x3FAB] =	sst s1  }
0xa: {  	[smem:$0x3FAC] =	sst s2  }
0xb: {  	[smem:$0x3FAD] =	sst s3  }
0xc: {  	[smem:$0x3FAE] =	sst s4  }
0xd: {  	[smem:$0x3FAF] =	sst s5  }
0xe: {  	[smem:$0x3FB0] =	sst s6  }
0xf: {  	[smem:$0x3FB1] =	sst s7  }
0x10: {  	[smem:$0x3FB2] =	sst s8  }
0x11: {  	[smem:$0x3FB3] =	sst s9;
	s0 =	simm.s32 @!p0 $0x0  }
0x12: {  	s1 =	sld [smem:$0x3F99];
	s0 =	simm.s32 @p0 $0x1  }
0x13: {  	[smem:$0x3FB4] =	sst s0;
	s0 =	simm.s32 @!p1 $0x0  }
0x14: {  	s2 =	sld [smem:$0x3F98];
	s0 =	simm.s32 @p1 $0x1  }
0x15: {  	[smem:$0x3FB5] =	sst s0;
	s0 =	simm.s32 @!p2 $0x0  }
0x16: {  	s3 =	sld [smem:$0x3FDB];
	s0 =	simm.s32 @p2 $0x1  }
0x17: {  	s4 =	simm.s32 $0x1BF5;
	[smem:$0x3FB7] =	sst s0  }
0x18: {  	s0 =	sld [smem:$0x3F9A];
	_ =	swait.ge [sflag:s4], $0x0  }
0x19: {  	s7 =	sld [smem:$0x3F9B]  }
0x1a: {  	s8 =	sadd.s32 $0xFFFFE003, lr  }
0x1b: {  	s9 =	sadd.s32 $0xFFFFFEF7, lr;
	s5 =	simm.s32 $0xFFFFFFFF;
	p2 =	slt.u32 s8, $0xFFFFF086  }
0x1c: {  	p1 =	slt.u32 s9, $0xF7A;
	s5 =	simm.s32 @!p2 $0x0  }
0x1d: {  	s5 =	simm.s32 @p1 $0x1;
	p0 =	seq.s32 s7, s2  }
0x1e: {  	s7 =	smul.u32 @!p0 $0xF7A, s2;
	p2 =	seq.s32 @!p0 s5, $0x0  }
0x1f: {  	s9 =	smul.u32 $0xF7A, s1;
	s8 =	simm.s32 @!p0 $0x1BF5;
	p2 =	por !p2, p0  }
0x20: {  	[sflag:s8] =	ssyncset.s32 @!p0 $0xFFFFF086;
	s6 =	sadd.s32 @!p0 s3, s7;
	s7 =	simm.s32 @!p0 $0x108  }
0x21: {  	s3 =	sadd.s32 s3, s9;
	s6 =	sadd.s32 @!p0 $0x88, s6;
	s7 =	simm.s32 @p2 $0x1082  }
0x22: {  	[simem:s7], [sflag:s8] =	dma.local @!p0 [hbm:s6], $0xF7A  }
0x23: {  	s9 =	sor.u32 $0xD0000000, s2;
	s6 =	simm.s32 $0x108;
	_ =	swait.ge @!p0 [sflag:s8], $0x0  }
0x24: {  	s3 =	sadd.s32 $0x88, s3;
	s6 =	simm.s32 @!p1 $0x1082;
	[sflag:s4] =	ssyncset.s32 $0xFFFFF086  }
0x25: {  	[simem:s6], [sflag:s4] =	dma.local [hbm:s3], $0xF7A  }
0x26: {  	[smem:$0x3F9B] =	sst s1;
	(tag) =	ssettag s2;
	_ =	strace s9  }
0x27: {  	s1 =	sld [smem:$0x3FAB]  }
0x28: {  	s2 =	sld [smem:$0x3FAC]  }
0x29: {  	s4 =	sld [smem:$0x3FAE]  }
0x2a: {  	p0 =	seq.s32 s5, $0x0;
	s5 =	sld [smem:$0x3FAF]  }
0x2b: {  	s6 =	sld [smem:$0x3FB0]  }
0x2c: {  	s7 =	sld [smem:$0x3FB1]  }
0x2d: {  	s3 =	simm.s32 $0x108;
	s8 =	sld [smem:$0x3FB2]  }
0x2e: {  	s3 =	simm.s32 @!p0 $0x1082;
	s9 =	sld [smem:$0x3FB3]  }
0x2f: {  	lr =	sadd.s32 s0, s3;
	s0 =	sld [smem:$0x3FAA]  }
0x30: {  	s3 =	sld [smem:$0x3FAD]  }
0x31: {  	[smem:$0x3FB6] =	sst s10  }
0x32: {  	s10 =	sld [smem:$0x3FB4];
	_ =	sdelay $0x3  }
0x33: {  	p0 =	seq.s32 s10, $0x1;
	s10 =	sld [smem:$0x3FB6];
	_ =	sdelay $0x3  }
0x34: {  	[smem:$0x3FB6] =	sst s10  }
0x35: {  	s10 =	sld [smem:$0x3FB5];
	_ =	sdelay $0x3  }
0x36: {  	p1 =	seq.s32 s10, $0x1;
	s10 =	sld [smem:$0x3FB6];
	_ =	sdelay $0x3  }
0x37: {  	[smem:$0x3FB6] =	sst s10  }
0x38: {  	s10 =	sld [smem:$0x3FB7]  }
0x39: {  	_ = 	snop;
	(pc) =	sbr.ind lr, $3  }
0x3a: {  	_ = 	snop  }
0x3b: {  	_ = 	snop  }
0x3c: {  	p2 =	seq.s32 s10, $0x1;
	s10 =	sld [smem:$0x3FB6]  }
0x3d: {  	_ =	shalt  }
0x3e: {  	_ =	shalt  }
0x3f: {  	_ =	shalt  }
0x40: {  	_ =	shalt  }
0x41: {  	_ =	shalt  }
0x42: {  	_ =	shalt  }
0x43: {  	_ =	shalt  }
0x44: {  	_ =	shalt  }
0x45: {  	_ =	shalt  }
0x46: {  	_ =	shalt  }
0x47: {  	_ =	shalt  }
0x48: {  	_ =	shalt  }
0x49: {  	_ =	shalt  }
0x4a: {  	_ =	shalt  }
0x4b: {  	_ =	shalt  }
0x4c: {  	_ =	shalt  }
0x4d: {  	_ =	shalt  }
0x4e: {  	_ =	shalt  }
0x4f: {  	_ =	shalt  }
0x50: {  	_ =	shalt  }
0x51: {  	_ =	shalt  }
0x52: {  	_ =	shalt  }
0x53: {  	_ =	shalt  }
0x54: {  	_ =	shalt  }
0x55: {  	_ =	shalt  }
0x56: {  	_ =	shalt  }
0x57: {  	_ =	shalt  }
0x58: {  	_ =	shalt  }
0x59: {  	_ =	shalt  }
0x5a: {  	_ =	shalt  }
0x5b: {  	_ =	shalt  }
0x5c: {  	_ =	shalt  }
0x5d: {  	_ =	shalt  }
0x5e: {  	_ =	shalt  }
0x5f: {  	_ =	shalt  }
0x60: {  	_ =	shalt  }
0x61: {  	_ =	shalt  }
0x62: {  	_ =	shalt  }
0x63: {  	_ =	shalt  }
0x64: {  	_ =	shalt  }
0x65: {  	_ =	shalt  }
0x66: {  	_ =	shalt  }
0x67: {  	_ =	shalt  }
0x68: {  	_ =	shalt  }
0x69: {  	_ =	shalt  }
0x6a: {  	_ =	shalt  }
0x6b: {  	_ =	shalt  }
0x6c: {  	_ =	shalt  }
0x6d: {  	_ =	shalt  }
0x6e: {  	_ =	shalt  }
0x6f: {  	_ =	shalt  }
0x70: {  	_ =	shalt  }
0x71: {  	_ =	shalt  }
0x72: {  	_ =	shalt  }
0x73: {  	_ =	shalt  }
0x74: {  	_ =	shalt  }
0x75: {  	_ =	shalt  }
0x76: {  	_ =	shalt  }
0x77: {  	_ =	shalt  }
0x78: {  	_ =	shalt  }
0x79: {  	_ =	shalt  }
0x7a: {  	_ =	shalt  }
0x7b: {  	_ =	shalt  }
0x7c: {  	_ =	shalt  }
0x7d: {  	_ =	shalt  }
0x7e: {  	_ =	shalt  }
0x7f: {  	_ =	shalt  }
0x80: {  	_ =	shalt  }
0x81: {  	_ =	shalt  }
0x82: {  	_ =	shalt  }
0x83: {  	_ =	shalt  }
0x84: {  	_ =	shalt  }
0x85: {  	_ =	shalt  }
0x86: {  	_ =	shalt  }
0x87: {  	_ =	shalt  }
.Lfunc_end0:
.L_simem_size_0:
called_computation.1_lowered:
.L_overlay_start_0:
0x88: {  	s2 =	sld [smem:$0x3FD9]  }
0x89: {  	s3 =	sld [smem:$0x3FFE];
	_ =	sdelay $0x1  }
0x8a: {  	s1 =	srdreg.scid  }
0x8b: {  	s0 =	sand.u32 $0x1, s1  }
0x8c: {  	s17 =	sshll.u32 s0, $0xA;
	s2 =	sadd.s32 s3, s2  }
0x8d: {  	s2 =	sadd.s32 s2, s17  }
0x8e: {  	[smem:$0x3FC2] =	sst s2  }
0x8f: {  	_ = 	snop  }
0x90: {  	s2 =	sld [smem:$0x3FD0];
	(tm) =	ssettm $0x1  }
0x91: {  	s18 =	sld [smem:$0x3FFB];
	_ =	sdelay $0x3  }
0x92: {  	_ =	strace s18  }
0x93: {  	s3 =	sld [smem:$0x3FFC];
	_ =	sdelay $0x3  }
0x94: {  	_ =	strace s3  }
0x95: {  	s3 =	sld [smem:$0x3FFD];
	_ =	sdelay $0x3  }
0x96: {  	_ =	strace s3  }
0x97: {  	_ =	strace $0x8FFFFFFF  }
0x98: {  	s19 =	sld [smem:$0x3FDB];
	_ =	sdelay $0x1  }
0x99: {  	s4 =	simm.s32 $_scs_section_size  }
0x9a: {  	s5 =	simm.s32 $_size__tile_overlayer_lowered;
	s6 =	simm.s32 $_tile_overlayer_lowered  }
0x9b: {  	s22 =	simm.s32 $0x1BFF;
	s21 =	sshll.u32 s6, $0x1;
	s3 =	sadd.s32 s4, s19  }
0x9c: {  	s7 =	simm.s32 $0x0;
	s20 =	sshll.u32 s5, $0x1;
	s5 =	sadd.s32 s21, s3  }
0x9d: {  	[timem:s7], [sflag:s22] =	dma.local [hbm:s5], s20  }
0x9e: {  	_ =	swait.ge [sflag:s22], s20  }
0x9f: {  	s4 =	ssub.s32 $0x0, s20;
	[sflag:s22] =	ssyncset.done $0x0  }
0xa0: {  	[sflag:s22] =	ssyncadd.s32 s4;
	_ =	sdelay $0x1  }
0xa1: {  	s23 =	simm.s32 $0x1B8B  }
0xa2: {  	_ =	swait.ge [sflag:s23], $0x1  }
0xa3: {  	[sflag:s23] =	ssyncset.done $0x0  }
0xa4: {  	s25 =	simm.s32 $0x1B8E;
	s24 =	sld [smem:$0x3FFE];
	[sflag:s23] =	ssyncadd.s32 $0xFFFFFFFF  }
0xa5: {  	s26 =	simm.s32 $execute0_lowered;
	[smem:$0x3FD2] =	sst s25  }
0xa6: {  	s5 =	sshll.u32 s26, $0x1;
	_ =	strace $0x80000049;
	[dreg:$0x1] =	wrdreg $0xFFFFFFFF  }
0xa7: {  	s28 =	simm.s32 $_size_execute0_lowered;
	s3 =	sadd.s32 s3, s5;
	[dreg:$0x0] =	wrdreg $0x0  }
0xa8: {  	s5 =	sshll.u32 s28, $0x1;
	[dreg:$0x2] =	wrdreg s3  }
0xa9: {  	[dreg:$0x3] =	wrdreg s5  }
0xaa: {  	[dreg:$0x4] =	wrdreg $0xC0  }
0xab: {  	_ =	task [dreg:s7], $0x5FFFF  }
0xac: {  	[dreg:$0x1] =	wrdreg $0xFFFFFFFF  }
0xad: {  	[dreg:$0x0] =	wrdreg $0x60  }
0xae: {  	[dreg:$0x2] =	wrdreg s2  }
0xaf: {  	[dreg:$0x3] =	wrdreg s24  }
0xb0: {  	[dreg:$0x4] =	wrdreg $0x0  }
0xb1: {  	[dreg:$0x5] =	wrdreg $0x9  }
0xb2: {  	_ =	task.clear_ibuf [dreg:s7], $0x6FFFF;
	_ =	strace $0x90000049  }
0xb3: {  	s29 =	simm.s32 $0x9;
	_ =	strace $0x8000004B  }
0xb4: {  	_ =	swait.ge [sflag:s29], $0x1  }
0xb5: {  	[sflag:s29] =	ssyncadd.s32 $0xFFFFFFFF  }
0xb6: {  	_ =	strace $0x9000004B  }
0xb7: {  	_ =	sfence  }
0xb8: {  	s30 =	sld [smem:$0x0];
	_ =	sdelay $0x2  }
0xb9: {  	s31 =	sshll.u32 s1, $0xD;
	s1 =	sshrl.u32 s1, $0x2  }
0xba: {  	s3 =	sand.u32 $0x4000, s31;
	s1 =	sadd.s32 s1, s30  }
0xbb: {  	s0 =	sor.u32 s3, s0;
	s1 =	sshll.u32 s1, $0x11  }
0xbc: {  	s0 =	sor.u32 s1, s0  }
0xbd: {  	s0 =	sadd.s32 $0x8F2B, s0  }
0xbe: {  	[sflag:s0] =	ssyncadd.remote.s32 $0x1  }
0xbf: {  	_ =	sfence.sel $0xFFFF  }
0xc0: {  	[dreg:$0x0] =	wrdreg $0xFFFFFFFF;
	(pc) =	sbr.abs _section_cstart, $3  }
0xc1: {  	[dreg:$0x1] =	wrdreg $0xFFFFFFFF  }
0xc2: {  	_ =	task.clear_ibuf [dreg:s7], $0x2FFFF;
	_ =	strace $0x9FFFFFFF  }
0xc3: {  	(tm) =	ssettm $0x7FFFFFFF  }
tec
execute0_lowered:
.L_overlay_start_1:
0x0: {  	(tag) =	ssettag $0x1  }
0x1: {  	s1 =	rddreg [dreg:$0x0]  }
0x2: {  	s2 =	rddreg [dreg:$0x1];
	s4 =	srdreg.scid  }
0x3: {  	s0 =	stileid.u32;
	s3 =	rddreg [dreg:$0x2]  }
0x4: {  	s18 =	simm.s32 $0x3;
	s19 =	simm.s32 $0x9C40;
	s21 =	simm.s32 $0x80  }
0x5: {  	s28 =	simm.s32 $0xE940;
	s29 =	simm.s32 $0xE9C0;
	s30 =	simm.s32 $0x0  }
0x6: {  	s12 =	sand.u32 $0x1, s4;
	s6 =	smul.u32 $0x13880, s0;
	s4 =	simm.s32 $0x0  }
0x7: {  	s10 =	sadd.s32 $0x1800, s2;
	s11 =	sadd.s32 $0xB600, s2;
	s8 =	smul.u32 $0x27100, s0  }
0x8: {  	s31 =	sshll.u32 s0, $0x4;
	s5 =	smul.u32 $0x138800, s12;
	[smem:$0x7FF] =	sst s4  }
0x9: {  	s22 =	ssub.s32 $0x2, s12;
	s13 =	sshll.u32 s12, $0x4;
	p0 =	sne.s32 s12, $0x0  }
0xa: {  	_ =	strace $0x8000004A;
	s9 =	sshrl.u32 s22, $0x1;
	s8 =	sshrl.u32 s8, $0x2  }
0xb: {  	s25 =	sor.u32 s0, s13;
	s23 =	sshrl.u32 s6, $0x1;
	s24 =	sshrl.u32 s6, $0x4  }
0xc: {  	s13 =	sor.u32 $0x9C00, s31;
	s5 =	sadd.s32 s6, s5;
	s14 =	ssub.s32 s22, s9  }
0xd: {  	s15 =	sadd.s32 s8, s3;
	s26 =	smul.u32 $0x4E0, s25;
	s6 =	sadd.s32 s23, s3  }
0xe: {  	s22 =	simm.s32 $0xEA40;
	p1 =	sgt.u32 s25, $0x3;
	s25 =	simm.s32 $0x1  }
0xf: {  	s7 =	sshrl.u32 s5, $0x4;
	s5 =	sadd.s32 $0x15400, s2;
	s15 =	sshrl.u32 @p0 s15, $0x3  }
0x10: {  	s17 =	sshrl.u32 @!p0 s6, $0x3;
	s2 =	sadd.s32 s7, s2;
	s7 =	sadd.s32 s1, s24  }
0x11: {  	s8 =	sadd.s32 s10, s26;
	s9 =	sadd.s32 s11, s26;
	s10 =	sadd.s32 s10, s13  }
0x12: {  	s11 =	sadd.s32 s11, s13;
	s12 =	sadd.s32 $0x16800, s2;
	s2 =	sshll.u32 @p0 s0, $0x6  }
0x13: {  	s13 =	smax.u32 s14, $0x1;
	s14 =	sor.u32 @p0 $0x1C03, s2;
	s2 =	sshll.u32 @!p0 s0, $0x6  }
0x14: {  	s24 =	simm.s32 $0x10A40;
	s26 =	simm.s32 $0x2;
	s16 =	sor.u32 @!p0 $0x1C03, s2  }
.LBB2_1:
0x15: {  	[spmem:s15], [sflag:s14] =	dma.local @p0 [hbm:s5], $0x1388  }
0x16: {  	[spmem:s17], [sflag:s16] =	dma.local @!p0 [hbm:s7], $0x1388  }
0x17: {  	_ =	swait.ge [sflag:s18], $0x1388  }
0x18: {  	[sflag:s18] =	ssyncset.done $0x0  }
0x19: {  	[sflag:s18] =	ssyncadd.s32 $0xFFFFEC78  }
0x1a: {  	[bflag:$0x0] =	sbarrier.arrive $0xFFFF  }
0x1b: {  	[tilespmem:s19], [sflag:$0x3] =	stream.linear.gather [hbm4b:s8+s4], $0x2700, $0x38;
	[tilespmem:$0x12B40] =	vst v63  }
0x1c: {  	_ =	swait.ge [sflag:s18], $0x2700  }
0x1d: {  	[sflag:s18] =	ssyncset.done $0x0  }
0x1e: {  	s0 =	simm.s32 $0xC340;
	[sflag:s18] =	ssyncadd.s32 $0xFFFFD900  }
0x1f: {  	[tilespmem:s0], [sflag:$0x3] =	stream.linear.gather [hbm4b:s9+s4], $0x2700, $0x38;
	[tilespmem:$0x12B40] =	vst v63  }
0x20: {  	_ =	swait.ge [sflag:s18], $0x2700  }
0x21: {  	[sflag:s18] =	ssyncset.done $0x0  }
0x22: {  	[sflag:s18] =	ssyncadd.s32 $0xFFFFD900  }
0x23: {  	[tilespmem:s22], [sflag:$0x1] =	stream.indirect.gather [hbm4b:s1+s21], $0x40, s19, s21, $0xb8;
	[tilespmem:$0x12B40] =	vst v63  }
0x24: {  	s2 =	simm.s32 $0x9CC0  }
0x25: {  	[tilespmem:s24], [sflag:$0x2] =	stream.indirect.gather [hbm4b:s1+s21], $0x40, s2, s21, $0xb8;
	[tilespmem:$0x12B40] =	vst v63  }
0x26: {  	_ =	swait.ge [sflag:s25], $0x2000  }
0x27: {  	[sflag:s25] =	ssyncset.done $0x0  }
0x28: {  	s2 =	simm.s32 $0xC340;
	[sflag:s25] =	ssyncadd.s32 $0xFFFFE000  }
0x29: {  	[spmem:s3] =	stream.indirect.scatter.add.bf16 [tilespmem:s22], [sflag:$0x3], $0x40, s2, s21, $0xb8;
	[tilespmem:$0x12B40] =	vst v63  }
0x2a: {  	_ =	swait.ge [sflag:s18], $0x2000  }
0x2b: {  	[sflag:s18] =	ssyncset.done $0x0  }
0x2c: {  	s20 =	simm.s32 $0x9D40;
	[sflag:s18] =	ssyncadd.s32 $0xFFFFE000  }
0x2d: {  	[tilespmem:s22], [sflag:$0x1] =	stream.indirect.gather [hbm4b:s1+s21], $0x40, s20, s21, $0xb8;
	[tilespmem:$0x12B40] =	vst v63  }
0x2e: {  	_ =	swait.ge [sflag:s26], $0x2000  }
0x2f: {  	[sflag:s26] =	ssyncset.done $0x0  }
0x30: {  	s23 =	simm.s32 $0xC3C0;
	[sflag:s26] =	ssyncadd.s32 $0xFFFFE000  }
0x31: {  	[spmem:s3] =	stream.indirect.scatter.add.bf16 [tilespmem:s24], [sflag:$0x3], $0x40, s23, s21, $0xb8;
	[tilespmem:$0x12B40] =	vst v63  }
0x32: {  	_ =	swait.ge [sflag:s18], $0x2000  }
0x33: {  	[sflag:s18] =	ssyncset.done $0x0  }
0x34: {  	s31 =	simm.s32 $0x400;
	s2 =	simm.s32 $0x9DC0;
	[sflag:s18] =	ssyncadd.s32 $0xFFFFE000  }
.LBB2_2:
0x35: {  	[tilespmem:s24], [sflag:$0x2] =	stream.indirect.gather [hbm4b:s1+s21], $0x40, s2, s21, $0xb8;
	[tilespmem:$0x12B40] =	vst v63  }
0x36: {  	s2 =	smov.u32 s31  }
0x37: {  	p2 =	sne.s32 s31, $0x9400;
	s31 =	sadd.s32 $0x400, s31;
	_ =	swait.ge [sflag:s25], $0x2000  }
0x38: {  	s2 =	sshra.s32 s2, $0x2;
	[sflag:s25] =	ssyncset.done $0x0  }
0x39: {  	s0 =	sadd.s32 $0xC340, s2;
	[sflag:s25] =	ssyncadd.s32 $0xFFFFE000  }
0x3a: {  	[spmem:s3] =	stream.indirect.scatter.add.bf16 [tilespmem:s22], [sflag:$0x3], $0x40, s0, s21, $0xb8;
	[tilespmem:$0x12B40] =	vst v63  }
0x3b: {  	_ =	swait.ge [sflag:s18], $0x2000  }
0x3c: {  	[sflag:s18] =	ssyncset.done $0x0  }
0x3d: {  	s0 =	sadd.s32 $0x9D40, s2;
	[sflag:s18] =	ssyncadd.s32 $0xFFFFE000  }
0x3e: {  	[tilespmem:s22], [sflag:$0x1] =	stream.indirect.gather [hbm4b:s1+s21], $0x40, s0, s21, $0xb8;
	[tilespmem:$0x12B40] =	vst v63  }
0x3f: {  	_ =	swait.ge [sflag:s26], $0x2000  }
0x40: {  	[sflag:s26] =	ssyncset.done $0x0  }
.Ltmp0:
0x41: {  	s0 =	sadd.s32 $0xC3C0, s2;
	[sflag:s26] =	ssyncadd.s32 $0xFFFFE000;
	(pc) =	sbr.rel @p2 .LBB2_2-.Ltmp0, $4  }
0x42: {  	[spmem:s3] =	stream.indirect.scatter.add.bf16 [tilespmem:s24], [sflag:$0x3], $0x40, s0, s21, $0xb8;
	[tilespmem:$0x12B40] =	vst v63  }
0x43: {  	_ =	swait.ge [sflag:s18], $0x2000  }
0x44: {  	[sflag:s18] =	ssyncset.done $0x0  }
0x45: {  	s2 =	sadd.s32 $0x9DC0, s2;
	[sflag:s18] =	ssyncadd.s32 $0xFFFFE000  }
0x46: {  	[tilespmem:s24], [sflag:$0x2] =	stream.indirect.gather [hbm4b:s1+s21], $0x40, s2, s21, $0xb8;
	[tilespmem:$0x12B40] =	vst v63  }
0x47: {  	_ =	swait.ge [sflag:s25], $0x2000  }
0x48: {  	[sflag:s25] =	ssyncset.done $0x0  }
0x49: {  	[sflag:s25] =	ssyncadd.s32 $0xFFFFE000  }
0x4a: {  	[spmem:s3] =	stream.indirect.scatter.add.bf16 [tilespmem:s22], [sflag:$0x3], $0x40, s28, s21, $0xb8;
	[tilespmem:$0x12B40] =	vst v63  }
0x4b: {  	_ =	swait.ge [sflag:s18], $0x2000  }
0x4c: {  	[sflag:s18] =	ssyncset.done $0x0  }
0x4d: {  	[sflag:s18] =	ssyncadd.s32 $0xFFFFE000  }
0x4e: {  	_ =	swait.ge [sflag:s26], $0x2000  }
0x4f: {  	[sflag:s26] =	ssyncset.done $0x0  }
0x50: {  	[sflag:s26] =	ssyncadd.s32 $0xFFFFE000  }
0x51: {  	[spmem:s3] =	stream.indirect.scatter.add.bf16 [tilespmem:s24], [sflag:$0x3], $0x40, s29, s21, $0xb8;
	[tilespmem:$0x12B40] =	vst v63  }
0x52: {  	_ =	swait.ge [sflag:s18], $0x2000  }
0x53: {  	s0 =	simm.s32 @!p1 $0x0;
	[sflag:s18] =	ssyncset.done $0x0  }
0x54: {  	s2 =	simm.s32 @!p1 $0x12A40;
	s31 =	simm.s32 @!p1 $0x3;
	[sflag:s18] =	ssyncadd.s32 $0xFFFFE000  }
0x55: {  	[tilespmem:s2], [sflag:$0x3] =	stream.linear.gather @!p1 [hbm4b:s10+s0], $0x80, $0x38;
	[tilespmem:$0x12B40] =	vst v63  }
0x56: {  	_ =	swait.ge @!p1 [sflag:s31], $0x80  }
0x57: {  	[sflag:s31] =	ssyncset.done @!p1 $0x0  }
0x58: {  	s20 =	simm.s32 @!p1 $0x12AC0;
	[sflag:s31] =	ssyncadd.s32 @!p1 $0xFFFFFF80  }
0x59: {  	[tilespmem:s20], [sflag:$0x3] =	stream.linear.gather @!p1 [hbm4b:s11+s0], $0x80, $0x38;
	[tilespmem:$0x12B40] =	vst v63  }
0x5a: {  	_ =	swait.ge @!p1 [sflag:s31], $0x80  }
0x5b: {  	[sflag:s31] =	ssyncset.done @!p1 $0x0  }
0x5c: {  	s23 =	simm.s32 @!p1 $0xEA40;
	s0 =	simm.s32 @!p1 $0x80;
	[sflag:s31] =	ssyncadd.s32 @!p1 $0xFFFFFF80  }
0x5d: {  	[tilespmem:s23], [sflag:$0x1] =	stream.indirect.gather @!p1 [hbm4b:s1+s0], $0x40, s2, s0, $0xb8;
	[tilespmem:$0x12B40] =	vst v63  }
0x5e: {  	s2 =	simm.s32 @!p1 $0x1  }
0x5f: {  	_ =	swait.ge @!p1 [sflag:s2], $0x2000  }
0x60: {  	[sflag:s2] =	ssyncset.done @!p1 $0x0  }
0x61: {  	[sflag:s2] =	ssyncadd.s32 @!p1 $0xFFFFE000  }
0x62: {  	[spmem:s3] =	stream.indirect.scatter.add.bf16 @!p1 [tilespmem:s23], [sflag:$0x3], $0x40, s20, s0, $0xb8;
	[tilespmem:$0x12B40] =	vst v63  }
0x63: {  	s23 =	stileid.u32;
	_ =	swait.ge @!p1 [sflag:s31], $0x2000  }
0x64: {  	s30 =	sadd.s32 $0x1, s30;
	s0 =	sshll.u32 s23, $0x6;
	[sflag:s31] =	ssyncset.done @!p1 $0x0  }
0x65: {  	p2 =	sne.s32 s30, s13;
	s0 =	sor.u32 $0x1C03, s0;
	[sflag:s31] =	ssyncadd.s32 @!p1 $0xFFFFE000  }
.Ltmp1:
0x66: {  	s31 =	sshrl.u32 s6, $0x3;
	[bflag:$0x0] =	sbarrier.arrive $0xFFFF;
	(pc) =	sbr.rel @p2 .LBB2_1-.Ltmp1, $4  }
0x67: {  	[hbm:s12], [sflag:s0] =	dma.local [spmem:s31], $0x1388  }
0x68: {  	_ =	swait.ge [sflag:s18], $0x1388  }
0x69: {  	[sflag:s18] =	ssyncset.done $0x0  }
0x6a: {  	[sflag:s18] =	ssyncadd.s32 $0xFFFFEC78  }
0x6b: {  	_ =	sfence.sel $0x180000  }
0x6c: {  	[bflag:$0x0] =	sbarrier.arrive $0xFFFF  }
0x6d: {  	_ =	strace $0x9000004A  }
0x6e: {  	s0 =	stileid.u32;
	[bflag:$0x2] =	sbarrier.arrive $0xFFFF  }
0x6f: {  	p0 =	sne.s32 s0, $0x0;
	s0 =	rddreg [dreg:$0x3]  }
0x70: {  	s0 =	sadd.s32 @!p0 $0x100000, s0  }
0x71: {  	[sflag:s0] =	ssyncadd.tile.s32 @!p0 $0x1;
	_ =	shalt  }
.Lfunc_end2:
_tile_overlayer_lowered:
.L_overlay_start_2:
0x72: {  	(tag) =	ssettag $0x2  }
0x73: {  	s0 =	rddreg [dreg:$0x0];
	s2 =	stileid.u32  }
0x74: {  	s1 =	rddreg [dreg:$0x1];
	p0 =	sne.s32 s2, $0x0  }
0x75: {  	s3 =	rddreg [dreg:$0x2];
	[bflag:$0x3] =	sbarrier.arrive $0xFFFF;
	s2 =	simm.s32 @!p0 $0x1C03  }
0x76: {  	[timem:s3], [sflag:s2] =	dma.local @!p0 [hbm:s0], s1  }
0x77: {  	s0 =	simm.s32 @!p0 $0x3  }
0x78: {  	_ =	swait.ge @!p0 [sflag:s0], s1  }
0x79: {  	s1 =	ssub.s32 @!p0 $0x0, s1;
	[sflag:s0] =	ssyncset.done @!p0 $0x0  }
0x7a: {  	[sflag:s0] =	ssyncadd.s32 @!p0 s1  }
0x7b: {  	[bflag:$0x3] =	sbarrier.arrive $0xFFFF  }
0x7c: {  	_ =	shalt  }

// kernel: kernel.14.cloned.1.call-start
scs
__scs_entry_jumppad:
0x0: {  	(pc) =	sbr.rel $0x88, $3  }
0x1: {  	(tag) =	ssettag $0x0;
	lr =	simm.s32 $0x1  }
0x2: {  	[smem:$0x3F9B] =	sst lr;
	_ =	strace $0xD0000000  }
0x3: {  	_ = 	snop  }
0x4: {  	_ = 	snop  }
0x5: {  	_ = 	snop  }
0x6: {  	_ = 	snop  }
0x7: {  	_ = 	snop  }
__scs_overlays_trampoline_lowered:
0x8: {  	[smem:$0x3FAA] =	sst s0  }
0x9: {  	[smem:$0x3FAB] =	sst s1  }
0xa: {  	[smem:$0x3FAC] =	sst s2  }
0xb: {  	[smem:$0x3FAD] =	sst s3  }
0xc: {  	[smem:$0x3FAE] =	sst s4  }
0xd: {  	[smem:$0x3FAF] =	sst s5  }
0xe: {  	[smem:$0x3FB0] =	sst s6  }
0xf: {  	[smem:$0x3FB1] =	sst s7  }
0x10: {  	[smem:$0x3FB2] =	sst s8  }
0x11: {  	[smem:$0x3FB3] =	sst s9;
	s0 =	simm.s32 @!p0 $0x0  }
0x12: {  	s1 =	sld [smem:$0x3F99];
	s0 =	simm.s32 @p0 $0x1  }
0x13: {  	[smem:$0x3FB4] =	sst s0;
	s0 =	simm.s32 @!p1 $0x0  }
0x14: {  	s2 =	sld [smem:$0x3F98];
	s0 =	simm.s32 @p1 $0x1  }
0x15: {  	[smem:$0x3FB5] =	sst s0;
	s0 =	simm.s32 @!p2 $0x0  }
0x16: {  	s3 =	sld [smem:$0x3FDB];
	s0 =	simm.s32 @p2 $0x1  }
0x17: {  	s4 =	simm.s32 $0x1BF5;
	[smem:$0x3FB7] =	sst s0  }
0x18: {  	s0 =	sld [smem:$0x3F9A];
	_ =	swait.ge [sflag:s4], $0x0  }
0x19: {  	s7 =	sld [smem:$0x3F9B]  }
0x1a: {  	s8 =	sadd.s32 $0xFFFFE003, lr  }
0x1b: {  	s9 =	sadd.s32 $0xFFFFFEF7, lr;
	s5 =	simm.s32 $0xFFFFFFFF;
	p2 =	slt.u32 s8, $0xFFFFF086  }
0x1c: {  	p1 =	slt.u32 s9, $0xF7A;
	s5 =	simm.s32 @!p2 $0x0  }
0x1d: {  	s5 =	simm.s32 @p1 $0x1;
	p0 =	seq.s32 s7, s2  }
0x1e: {  	s7 =	smul.u32 @!p0 $0xF7A, s2;
	p2 =	seq.s32 @!p0 s5, $0x0  }
0x1f: {  	s9 =	smul.u32 $0xF7A, s1;
	s8 =	simm.s32 @!p0 $0x1BF5;
	p2 =	por !p2, p0  }
0x20: {  	[sflag:s8] =	ssyncset.s32 @!p0 $0xFFFFF086;
	s6 =	sadd.s32 @!p0 s3, s7;
	s7 =	simm.s32 @!p0 $0x108  }
0x21: {  	s3 =	sadd.s32 s3, s9;
	s6 =	sadd.s32 @!p0 $0x88, s6;
	s7 =	simm.s32 @p2 $0x1082  }
0x22: {  	[simem:s7], [sflag:s8] =	dma.local @!p0 [hbm:s6], $0xF7A  }
0x23: {  	s9 =	sor.u32 $0xD0000000, s2;
	s6 =	simm.s32 $0x108;
	_ =	swait.ge @!p0 [sflag:s8], $0x0  }
0x24: {  	s3 =	sadd.s32 $0x88, s3;
	s6 =	simm.s32 @!p1 $0x1082;
	[sflag:s4] =	ssyncset.s32 $0xFFFFF086  }
0x25: {  	[simem:s6], [sflag:s4] =	dma.local [hbm:s3], $0xF7A  }
0x26: {  	[smem:$0x3F9B] =	sst s1;
	(tag) =	ssettag s2;
	_ =	strace s9  }
0x27: {  	s1 =	sld [smem:$0x3FAB]  }
0x28: {  	s2 =	sld [smem:$0x3FAC]  }
0x29: {  	s4 =	sld [smem:$0x3FAE]  }
0x2a: {  	p0 =	seq.s32 s5, $0x0;
	s5 =	sld [smem:$0x3FAF]  }
0x2b: {  	s6 =	sld [smem:$0x3FB0]  }
0x2c: {  	s7 =	sld [smem:$0x3FB1]  }
0x2d: {  	s3 =	simm.s32 $0x108;
	s8 =	sld [smem:$0x3FB2]  }
0x2e: {  	s3 =	simm.s32 @!p0 $0x1082;
	s9 =	sld [smem:$0x3FB3]  }
0x2f: {  	lr =	sadd.s32 s0, s3;
	s0 =	sld [smem:$0x3FAA]  }
0x30: {  	s3 =	sld [smem:$0x3FAD]  }
0x31: {  	[smem:$0x3FB6] =	sst s10  }
0x32: {  	s10 =	sld [smem:$0x3FB4];
	_ =	sdelay $0x3  }
0x33: {  	p0 =	seq.s32 s10, $0x1;
	s10 =	sld [smem:$0x3FB6];
	_ =	sdelay $0x3  }
0x34: {  	[smem:$0x3FB6] =	sst s10  }
0x35: {  	s10 =	sld [smem:$0x3FB5];
	_ =	sdelay $0x3  }
0x36: {  	p1 =	seq.s32 s10, $0x1;
	s10 =	sld [smem:$0x3FB6];
	_ =	sdelay $0x3  }
0x37: {  	[smem:$0x3FB6] =	sst s10  }
0x38: {  	s10 =	sld [smem:$0x3FB7]  }
0x39: {  	_ = 	snop;
	(pc) =	sbr.ind lr, $3  }
0x3a: {  	_ = 	snop  }
0x3b: {  	_ = 	snop  }
0x3c: {  	p2 =	seq.s32 s10, $0x1;
	s10 =	sld [smem:$0x3FB6]  }
0x3d: {  	_ =	shalt  }
0x3e: {  	_ =	shalt  }
0x3f: {  	_ =	shalt  }
0x40: {  	_ =	shalt  }
0x41: {  	_ =	shalt  }
0x42: {  	_ =	shalt  }
0x43: {  	_ =	shalt  }
0x44: {  	_ =	shalt  }
0x45: {  	_ =	shalt  }
0x46: {  	_ =	shalt  }
0x47: {  	_ =	shalt  }
0x48: {  	_ =	shalt  }
0x49: {  	_ =	shalt  }
0x4a: {  	_ =	shalt  }
0x4b: {  	_ =	shalt  }
0x4c: {  	_ =	shalt  }
0x4d: {  	_ =	shalt  }
0x4e: {  	_ =	shalt  }
0x4f: {  	_ =	shalt  }
0x50: {  	_ =	shalt  }
0x51: {  	_ =	shalt  }
0x52: {  	_ =	shalt  }
0x53: {  	_ =	shalt  }
0x54: {  	_ =	shalt  }
0x55: {  	_ =	shalt  }
0x56: {  	_ =	shalt  }
0x57: {  	_ =	shalt  }
0x58: {  	_ =	shalt  }
0x59: {  	_ =	shalt  }
0x5a: {  	_ =	shalt  }
0x5b: {  	_ =	shalt  }
0x5c: {  	_ =	shalt  }
0x5d: {  	_ =	shalt  }
0x5e: {  	_ =	shalt  }
0x5f: {  	_ =	shalt  }
0x60: {  	_ =	shalt  }
0x61: {  	_ =	shalt  }
0x62: {  	_ =	shalt  }
0x63: {  	_ =	shalt  }
0x64: {  	_ =	shalt  }
0x65: {  	_ =	shalt  }
0x66: {  	_ =	shalt  }
0x67: {  	_ =	shalt  }
0x68: {  	_ =	shalt  }
0x69: {  	_ =	shalt  }
0x6a: {  	_ =	shalt  }
0x6b: {  	_ =	shalt  }
0x6c: {  	_ =	shalt  }
0x6d: {  	_ =	shalt  }
0x6e: {  	_ =	shalt  }
0x6f: {  	_ =	shalt  }
0x70: {  	_ =	shalt  }
0x71: {  	_ =	shalt  }
0x72: {  	_ =	shalt  }
0x73: {  	_ =	shalt  }
0x74: {  	_ =	shalt  }
0x75: {  	_ =	shalt  }
0x76: {  	_ =	shalt  }
0x77: {  	_ =	shalt  }
0x78: {  	_ =	shalt  }
0x79: {  	_ =	shalt  }
0x7a: {  	_ =	shalt  }
0x7b: {  	_ =	shalt  }
0x7c: {  	_ =	shalt  }
0x7d: {  	_ =	shalt  }
0x7e: {  	_ =	shalt  }
0x7f: {  	_ =	shalt  }
0x80: {  	_ =	shalt  }
0x81: {  	_ =	shalt  }
0x82: {  	_ =	shalt  }
0x83: {  	_ =	shalt  }
0x84: {  	_ =	shalt  }
0x85: {  	_ =	shalt  }
0x86: {  	_ =	shalt  }
0x87: {  	_ =	shalt  }
.Lfunc_end0:
.L_simem_size_0:
called_computation.2_lowered:
.L_overlay_start_0:
0x88: {  	s2 =	sld [smem:$0x3FD9]  }
0x89: {  	s3 =	sld [smem:$0x3FFE];
	_ =	sdelay $0x1  }
0x8a: {  	s1 =	srdreg.scid  }
0x8b: {  	s0 =	sand.u32 $0x1, s1  }
0x8c: {  	s17 =	sshll.u32 s0, $0xA;
	s2 =	sadd.s32 s3, s2  }
0x8d: {  	s2 =	sadd.s32 s2, s17  }
0x8e: {  	[smem:$0x3FC2] =	sst s2  }
0x8f: {  	_ = 	snop  }
0x90: {  	s2 =	sld [smem:$0x3FD0];
	(tm) =	ssettm $0x1  }
0x91: {  	s18 =	sld [smem:$0x3FFB];
	_ =	sdelay $0x3  }
0x92: {  	_ =	strace s18  }
0x93: {  	s3 =	sld [smem:$0x3FFC];
	_ =	sdelay $0x3  }
0x94: {  	_ =	strace s3  }
0x95: {  	s3 =	sld [smem:$0x3FFD];
	_ =	sdelay $0x3  }
0x96: {  	_ =	strace s3  }
0x97: {  	_ =	strace $0x8FFFFFFF  }
0x98: {  	s19 =	sld [smem:$0x3FDB];
	_ =	sdelay $0x1  }
0x99: {  	s4 =	simm.s32 $_scs_section_size  }
0x9a: {  	s5 =	simm.s32 $_size__tile_overlayer_lowered;
	s6 =	simm.s32 $_tile_overlayer_lowered  }
0x9b: {  	s22 =	simm.s32 $0x1BFF;
	s21 =	sshll.u32 s6, $0x1;
	s3 =	sadd.s32 s4, s19  }
0x9c: {  	s7 =	simm.s32 $0x0;
	s20 =	sshll.u32 s5, $0x1;
	s5 =	sadd.s32 s21, s3  }
0x9d: {  	[timem:s7], [sflag:s22] =	dma.local [hbm:s5], s20  }
0x9e: {  	_ =	swait.ge [sflag:s22], s20  }
0x9f: {  	s4 =	ssub.s32 $0x0, s20;
	[sflag:s22] =	ssyncset.done $0x0  }
0xa0: {  	[sflag:s22] =	ssyncadd.s32 s4;
	_ =	sdelay $0x1  }
0xa1: {  	s23 =	simm.s32 $0x1B8B  }
0xa2: {  	_ =	swait.ge [sflag:s23], $0x1  }
0xa3: {  	[sflag:s23] =	ssyncset.done $0x0  }
0xa4: {  	s25 =	simm.s32 $0x1B8E;
	s24 =	sld [smem:$0x3FFE];
	[sflag:s23] =	ssyncadd.s32 $0xFFFFFFFF  }
0xa5: {  	s26 =	simm.s32 $execute0_lowered;
	[smem:$0x3FD2] =	sst s25  }
0xa6: {  	s5 =	sshll.u32 s26, $0x1;
	_ =	strace $0x8000004C;
	[dreg:$0x1] =	wrdreg $0xFFFFFFFF  }
0xa7: {  	s28 =	simm.s32 $_size_execute0_lowered;
	s3 =	sadd.s32 s3, s5;
	[dreg:$0x0] =	wrdreg $0x0  }
0xa8: {  	s5 =	sshll.u32 s28, $0x1;
	[dreg:$0x2] =	wrdreg s3  }
0xa9: {  	[dreg:$0x3] =	wrdreg s5  }
0xaa: {  	[dreg:$0x4] =	wrdreg $0xC0  }
0xab: {  	_ =	task [dreg:s7], $0x5FFFF  }
0xac: {  	[dreg:$0x1] =	wrdreg $0xFFFFFFFF  }
0xad: {  	[dreg:$0x0] =	wrdreg $0x60  }
0xae: {  	[dreg:$0x2] =	wrdreg s24  }
0xaf: {  	[dreg:$0x3] =	wrdreg s2  }
0xb0: {  	[dreg:$0x4] =	wrdreg $0x0  }
0xb1: {  	[dreg:$0x5] =	wrdreg $0x9  }
0xb2: {  	_ =	task.clear_ibuf [dreg:s7], $0x6FFFF;
	_ =	strace $0x9000004C  }
0xb3: {  	s29 =	simm.s32 $0x9;
	_ =	strace $0x8000004E  }
0xb4: {  	_ =	swait.ge [sflag:s29], $0x1  }
0xb5: {  	[sflag:s29] =	ssyncadd.s32 $0xFFFFFFFF  }
0xb6: {  	_ =	strace $0x9000004E  }
0xb7: {  	_ =	sfence  }
0xb8: {  	s30 =	sld [smem:$0x0];
	_ =	sdelay $0x2  }
0xb9: {  	s31 =	sshll.u32 s1, $0xD;
	s1 =	sshrl.u32 s1, $0x2  }
0xba: {  	s3 =	sand.u32 $0x4000, s31;
	s1 =	sadd.s32 s1, s30  }
0xbb: {  	s0 =	sor.u32 s3, s0;
	s1 =	sshll.u32 s1, $0x11  }
0xbc: {  	s0 =	sor.u32 s1, s0  }
0xbd: {  	s0 =	sadd.s32 $0x8F2B, s0  }
0xbe: {  	[sflag:s0] =	ssyncadd.remote.s32 $0x1  }
0xbf: {  	_ =	sfence.sel $0xFFFF  }
0xc0: {  	[dreg:$0x0] =	wrdreg $0xFFFFFFFF;
	(pc) =	sbr.abs _section_cstart, $3  }
0xc1: {  	[dreg:$0x1] =	wrdreg $0xFFFFFFFF  }
0xc2: {  	_ =	task.clear_ibuf [dreg:s7], $0x2FFFF;
	_ =	strace $0x9FFFFFFF  }
0xc3: {  	(tm) =	ssettm $0x7FFFFFFF  }
tec
execute0_lowered:
.L_overlay_start_1:
0x0: {  	(tag) =	ssettag $0x1  }
0x1: {  	s0 =	rddreg [dreg:$0x0]  }
0x2: {  	s12 =	rddreg [dreg:$0x1]  }
0x3: {  	s1 =	rddreg [dreg:$0x2];
	s2 =	simm.s32 $0x0;
	s5 =	srdreg.scid  }
0x4: {  	s3 =	stileid.u32;
	s18 =	simm.s32 $0x3;
	s19 =	simm.s32 $0x4E20  }
0x5: {  	s21 =	simm.s32 $0x80;
	s28 =	simm.s32 $0x9B20;
	s29 =	simm.s32 $0x9BA0  }
0x6: {  	s30 =	simm.s32 $0x0;
	[smem:$0x7FF] =	sst s2;
	s4 =	sadd.s32 $0x15400, s0  }
0x7: {  	s13 =	sand.u32 $0x1, s5;
	s10 =	sadd.s32 $0x1800, s0;
	s7 =	smul.u32 $0x13880, s3  }
0x8: {  	s11 =	sadd.s32 $0xB600, s0;
	s14 =	smul.u32 $0x9C40, s3;
	s5 =	sadd.s32 $0x3DA00, s0  }
0x9: {  	s16 =	sshll.u32 s3, $0x4;
	_ =	strace $0x8000004D;
	s6 =	ssub.s32 $0x2, s13  }
0xa: {  	s23 =	sshll.u32 s13, $0x4;
	s17 =	smul.u32 $0x9C400, s13;
	s16 =	sor.u32 $0x9C00, s16  }
0xb: {  	p0 =	sne.s32 s13, $0x0;
	s8 =	sshrl.u32 s6, $0x1;
	s25 =	sor.u32 s3, s23  }
0xc: {  	s24 =	sshrl.u32 s7, $0x2;
	s26 =	sshrl.u32 s14, $0x1;
	s31 =	sshrl.u32 s14, $0x4  }
0xd: {  	s0 =	sshll.u32 @p0 s3, $0x6;
	s22 =	ssub.s32 s6, s8;
	s15 =	sadd.s32 s24, s1  }
0xe: {  	s6 =	sadd.s32 s26, s1;
	s9 =	smul.u32 $0x4E0, s25;
	s7 =	sadd.s32 s4, s31  }
0xf: {  	s14 =	sadd.s32 s14, s17;
	s24 =	simm.s32 $0xAC20;
	p1 =	sgt.u32 s25, $0x3  }
0x10: {  	s25 =	simm.s32 $0x1;
	s26 =	simm.s32 $0x2;
	s14 =	sshrl.u32 s14, $0x4  }
0x11: {  	s13 =	smax.u32 s22, $0x1;
	s15 =	sshrl.u32 @p0 s15, $0x3;
	s17 =	sshrl.u32 @!p0 s6, $0x3  }
0x12: {  	s22 =	simm.s32 $0x9C20;
	s8 =	sadd.s32 s10, s9;
	s9 =	sadd.s32 s11, s9  }
0x13: {  	s12 =	sadd.s32 s12, s14;
	s14 =	sor.u32 @p0 $0x1C03, s0;
	s0 =	sshll.u32 @!p0 s3, $0x6  }
0x14: {  	s10 =	sadd.s32 s10, s16;
	s11 =	sadd.s32 s11, s16;
	s16 =	sor.u32 @!p0 $0x1C03, s0  }
.LBB2_1:
0x15: {  	[spmem:s15], [sflag:s14] =	dma.local @p0 [hbm:s5], $0x9C4  }
0x16: {  	[spmem:s17], [sflag:s16] =	dma.local @!p0 [hbm:s7], $0x9C4  }
0x17: {  	_ =	swait.ge [sflag:s18], $0x9C4  }
0x18: {  	[sflag:s18] =	ssyncset.done $0x0  }
0x19: {  	[sflag:s18] =	ssyncadd.s32 $0xFFFFF63C  }
0x1a: {  	[bflag:$0x0] =	sbarrier.arrive $0xFFFF  }
0x1b: {  	[tilespmem:s19], [sflag:$0x3] =	stream.linear.gather [hbm4b:s8+s2], $0x2700, $0x38;
	[tilespmem:$0xBD20] =	vst v63  }
0x1c: {  	_ =	swait.ge [sflag:s18], $0x2700  }
0x1d: {  	[sflag:s18] =	ssyncset.done $0x0  }
0x1e: {  	s0 =	simm.s32 $0x7520;
	[sflag:s18] =	ssyncadd.s32 $0xFFFFD900  }
0x1f: {  	[tilespmem:s0], [sflag:$0x3] =	stream.linear.gather [hbm4b:s9+s2], $0x2700, $0x38;
	[tilespmem:$0xBD20] =	vst v63  }
0x20: {  	_ =	swait.ge [sflag:s18], $0x2700  }
0x21: {  	[sflag:s18] =	ssyncset.done $0x0  }
0x22: {  	[sflag:s18] =	ssyncadd.s32 $0xFFFFD900  }
0x23: {  	[tilespmem:s22], [sflag:$0x1] =	stream.indirect.gather [hbm4b:s4+s21], $0x20, s19, s21, $0xb8;
	[tilespmem:$0xBD20] =	vst v63  }
0x24: {  	s23 =	simm.s32 $0x4EA0  }
0x25: {  	[tilespmem:s24], [sflag:$0x2] =	stream.indirect.gather [hbm4b:s4+s21], $0x20, s23, s21, $0xb8;
	[tilespmem:$0xBD20] =	vst v63  }
0x26: {  	_ =	swait.ge [sflag:s25], $0x1000  }
0x27: {  	[sflag:s25] =	ssyncset.done $0x0  }
0x28: {  	s3 =	simm.s32 $0x7520;
	[sflag:s25] =	ssyncadd.s32 $0xFFFFF000  }
0x29: {  	[spmem:s1] =	stream.indirect.scatter.add.bf16 [tilespmem:s22], [sflag:$0x3], $0x20, s3, s21, $0xb8;
	[tilespmem:$0xBD20] =	vst v63  }
0x2a: {  	_ =	swait.ge [sflag:s18], $0x1000  }
0x2b: {  	[sflag:s18] =	ssyncset.done $0x0  }
0x2c: {  	s20 =	simm.s32 $0x4F20;
	[sflag:s18] =	ssyncadd.s32 $0xFFFFF000  }
0x2d: {  	[tilespmem:s22], [sflag:$0x1] =	stream.indirect.gather [hbm4b:s4+s21], $0x20, s20, s21, $0xb8;
	[tilespmem:$0xBD20] =	vst v63  }
0x2e: {  	_ =	swait.ge [sflag:s26], $0x1000  }
0x2f: {  	[sflag:s26] =	ssyncset.done $0x0  }
0x30: {  	s23 =	simm.s32 $0x75A0;
	[sflag:s26] =	ssyncadd.s32 $0xFFFFF000  }
0x31: {  	[spmem:s1] =	stream.indirect.scatter.add.bf16 [tilespmem:s24], [sflag:$0x3], $0x20, s23, s21, $0xb8;
	[tilespmem:$0xBD20] =	vst v63  }
0x32: {  	_ =	swait.ge [sflag:s18], $0x1000  }
0x33: {  	[sflag:s18] =	ssyncset.done $0x0  }
0x34: {  	s31 =	simm.s32 $0x400;
	s0 =	simm.s32 $0x4FA0;
	[sflag:s18] =	ssyncadd.s32 $0xFFFFF000  }
.LBB2_2:
0x35: {  	[tilespmem:s24], [sflag:$0x2] =	stream.indirect.gather [hbm4b:s4+s21], $0x20, s0, s21, $0xb8;
	[tilespmem:$0xBD20] =	vst v63  }
0x36: {  	s0 =	smov.u32 s31  }
0x37: {  	p2 =	sne.s32 s31, $0x9400;
	s31 =	sadd.s32 $0x400, s31;
	_ =	swait.ge [sflag:s25], $0x1000  }
0x38: {  	s0 =	sshra.s32 s0, $0x2;
	[sflag:s25] =	ssyncset.done $0x0  }
0x39: {  	s3 =	sadd.s32 $0x7520, s0;
	[sflag:s25] =	ssyncadd.s32 $0xFFFFF000  }
0x3a: {  	[spmem:s1] =	stream.indirect.scatter.add.bf16 [tilespmem:s22], [sflag:$0x3], $0x20, s3, s21, $0xb8;
	[tilespmem:$0xBD20] =	vst v63  }
0x3b: {  	_ =	swait.ge [sflag:s18], $0x1000  }
0x3c: {  	[sflag:s18] =	ssyncset.done $0x0  }
0x3d: {  	s3 =	sadd.s32 $0x4F20, s0;
	[sflag:s18] =	ssyncadd.s32 $0xFFFFF000  }
0x3e: {  	[tilespmem:s22], [sflag:$0x1] =	stream.indirect.gather [hbm4b:s4+s21], $0x20, s3, s21, $0xb8;
	[tilespmem:$0xBD20] =	vst v63  }
0x3f: {  	_ =	swait.ge [sflag:s26], $0x1000  }
0x40: {  	[sflag:s26] =	ssyncset.done $0x0  }
.Ltmp0:
0x41: {  	s3 =	sadd.s32 $0x75A0, s0;
	[sflag:s26] =	ssyncadd.s32 $0xFFFFF000;
	(pc) =	sbr.rel @p2 .LBB2_2-.Ltmp0, $4  }
0x42: {  	[spmem:s1] =	stream.indirect.scatter.add.bf16 [tilespmem:s24], [sflag:$0x3], $0x20, s3, s21, $0xb8;
	[tilespmem:$0xBD20] =	vst v63  }
0x43: {  	_ =	swait.ge [sflag:s18], $0x1000  }
0x44: {  	[sflag:s18] =	ssyncset.done $0x0  }
0x45: {  	s0 =	sadd.s32 $0x4FA0, s0;
	[sflag:s18] =	ssyncadd.s32 $0xFFFFF000  }
0x46: {  	[tilespmem:s24], [sflag:$0x2] =	stream.indirect.gather [hbm4b:s4+s21], $0x20, s0, s21, $0xb8;
	[tilespmem:$0xBD20] =	vst v63  }
0x47: {  	_ =	swait.ge [sflag:s25], $0x1000  }
0x48: {  	[sflag:s25] =	ssyncset.done $0x0  }
0x49: {  	[sflag:s25] =	ssyncadd.s32 $0xFFFFF000  }
0x4a: {  	[spmem:s1] =	stream.indirect.scatter.add.bf16 [tilespmem:s22], [sflag:$0x3], $0x20, s28, s21, $0xb8;
	[tilespmem:$0xBD20] =	vst v63  }
0x4b: {  	_ =	swait.ge [sflag:s18], $0x1000  }
0x4c: {  	[sflag:s18] =	ssyncset.done $0x0  }
0x4d: {  	[sflag:s18] =	ssyncadd.s32 $0xFFFFF000  }
0x4e: {  	_ =	swait.ge [sflag:s26], $0x1000  }
0x4f: {  	[sflag:s26] =	ssyncset.done $0x0  }
0x50: {  	[sflag:s26] =	ssyncadd.s32 $0xFFFFF000  }
0x51: {  	[spmem:s1] =	stream.indirect.scatter.add.bf16 [tilespmem:s24], [sflag:$0x3], $0x20, s29, s21, $0xb8;
	[tilespmem:$0xBD20] =	vst v63  }
0x52: {  	_ =	swait.ge [sflag:s18], $0x1000  }
0x53: {  	s0 =	simm.s32 @!p1 $0x0;
	[sflag:s18] =	ssyncset.done $0x0  }
0x54: {  	s3 =	simm.s32 @!p1 $0xBC20;
	s31 =	simm.s32 @!p1 $0x3;
	[sflag:s18] =	ssyncadd.s32 $0xFFFFF000  }
0x55: {  	[tilespmem:s3], [sflag:$0x3] =	stream.linear.gather @!p1 [hbm4b:s10+s0], $0x80, $0x38;
	[tilespmem:$0xBD20] =	vst v63  }
0x56: {  	_ =	swait.ge @!p1 [sflag:s31], $0x80  }
0x57: {  	[sflag:s31] =	ssyncset.done @!p1 $0x0  }
0x58: {  	s20 =	simm.s32 @!p1 $0xBCA0;
	[sflag:s31] =	ssyncadd.s32 @!p1 $0xFFFFFF80  }
0x59: {  	[tilespmem:s20], [sflag:$0x3] =	stream.linear.gather @!p1 [hbm4b:s11+s0], $0x80, $0x38;
	[tilespmem:$0xBD20] =	vst v63  }
0x5a: {  	_ =	swait.ge @!p1 [sflag:s31], $0x80  }
0x5b: {  	[sflag:s31] =	ssyncset.done @!p1 $0x0  }
0x5c: {  	s23 =	simm.s32 @!p1 $0x9C20;
	s0 =	simm.s32 @!p1 $0x80;
	[sflag:s31] =	ssyncadd.s32 @!p1 $0xFFFFFF80  }
0x5d: {  	[tilespmem:s23], [sflag:$0x1] =	stream.indirect.gather @!p1 [hbm4b:s4+s0], $0x20, s3, s0, $0xb8;
	[tilespmem:$0xBD20] =	vst v63  }
0x5e: {  	s3 =	simm.s32 @!p1 $0x1  }
0x5f: {  	_ =	swait.ge @!p1 [sflag:s3], $0x1000  }
0x60: {  	[sflag:s3] =	ssyncset.done @!p1 $0x0  }
0x61: {  	[sflag:s3] =	ssyncadd.s32 @!p1 $0xFFFFF000  }
0x62: {  	[spmem:s1] =	stream.indirect.scatter.add.bf16 @!p1 [tilespmem:s23], [sflag:$0x3], $0x20, s20, s0, $0xb8;
	[tilespmem:$0xBD20] =	vst v63  }
0x63: {  	s23 =	stileid.u32;
	_ =	swait.ge @!p1 [sflag:s31], $0x1000  }
0x64: {  	s30 =	sadd.s32 $0x1, s30;
	s0 =	sshll.u32 s23, $0x6;
	[sflag:s31] =	ssyncset.done @!p1 $0x0  }
0x65: {  	p2 =	sne.s32 s30, s13;
	s0 =	sor.u32 $0x1C03, s0;
	[sflag:s31] =	ssyncadd.s32 @!p1 $0xFFFFF000  }
.Ltmp1:
0x66: {  	s31 =	sshrl.u32 s6, $0x3;
	[bflag:$0x0] =	sbarrier.arrive $0xFFFF;
	(pc) =	sbr.rel @p2 .LBB2_1-.Ltmp1, $4  }
0x67: {  	[hbm:s12], [sflag:s0] =	dma.local [spmem:s31], $0x9C4  }
0x68: {  	_ =	swait.ge [sflag:s18], $0x9C4  }
0x69: {  	[sflag:s18] =	ssyncset.done $0x0  }
0x6a: {  	[sflag:s18] =	ssyncadd.s32 $0xFFFFF63C  }
0x6b: {  	_ =	sfence.sel $0x180000  }
0x6c: {  	[bflag:$0x0] =	sbarrier.arrive $0xFFFF  }
0x6d: {  	_ =	strace $0x9000004D  }
0x6e: {  	s0 =	stileid.u32;
	[bflag:$0x2] =	sbarrier.arrive $0xFFFF  }
0x6f: {  	p0 =	sne.s32 s0, $0x0;
	s0 =	rddreg [dreg:$0x3]  }
0x70: {  	s0 =	sadd.s32 @!p0 $0x100000, s0  }
0x71: {  	[sflag:s0] =	ssyncadd.tile.s32 @!p0 $0x1;
	_ =	shalt  }
.Lfunc_end2:
_tile_overlayer_lowered:
.L_overlay_start_2:
0x72: {  	(tag) =	ssettag $0x2  }
0x73: {  	s0 =	rddreg [dreg:$0x0];
	s2 =	stileid.u32  }
0x74: {  	s1 =	rddreg [dreg:$0x1];
	p0 =	sne.s32 s2, $0x0  }
0x75: {  	s3 =	rddreg [dreg:$0x2];
	[bflag:$0x3] =	sbarrier.arrive $0xFFFF;
	s2 =	simm.s32 @!p0 $0x1C03  }
0x76: {  	[timem:s3], [sflag:s2] =	dma.local @!p0 [hbm:s0], s1  }
0x77: {  	s0 =	simm.s32 @!p0 $0x3  }
0x78: {  	_ =	swait.ge @!p0 [sflag:s0], s1  }
0x79: {  	s1 =	ssub.s32 @!p0 $0x0, s1;
	[sflag:s0] =	ssyncset.done @!p0 $0x0  }
0x7a: {  	[sflag:s0] =	ssyncadd.s32 @!p0 s1  }
0x7b: {  	[bflag:$0x3] =	sbarrier.arrive $0xFFFF  }
0x7c: {  	_ =	shalt  }

// kernel: kernel.8.cloned.1.call-start
scs
__scs_entry_jumppad:
0x0: {  	(pc) =	sbr.rel $0x88, $3  }
0x1: {  	(tag) =	ssettag $0x0;
	lr =	simm.s32 $0x1  }
0x2: {  	[smem:$0x3F9B] =	sst lr;
	_ =	strace $0xD0000000  }
0x3: {  	_ = 	snop  }
0x4: {  	_ = 	snop  }
0x5: {  	_ = 	snop  }
0x6: {  	_ = 	snop  }
0x7: {  	_ = 	snop  }
__scs_overlays_trampoline_lowered:
0x8: {  	[smem:$0x3FAA] =	sst s0  }
0x9: {  	[smem:$0x3FAB] =	sst s1  }
0xa: {  	[smem:$0x3FAC] =	sst s2  }
0xb: {  	[smem:$0x3FAD] =	sst s3  }
0xc: {  	[smem:$0x3FAE] =	sst s4  }
0xd: {  	[smem:$0x3FAF] =	sst s5  }
0xe: {  	[smem:$0x3FB0] =	sst s6  }
0xf: {  	[smem:$0x3FB1] =	sst s7  }
0x10: {  	[smem:$0x3FB2] =	sst s8  }
0x11: {  	[smem:$0x3FB3] =	sst s9;
	s0 =	simm.s32 @!p0 $0x0  }
0x12: {  	s1 =	sld [smem:$0x3F99];
	s0 =	simm.s32 @p0 $0x1  }
0x13: {  	[smem:$0x3FB4] =	sst s0;
	s0 =	simm.s32 @!p1 $0x0  }
0x14: {  	s2 =	sld [smem:$0x3F98];
	s0 =	simm.s32 @p1 $0x1  }
0x15: {  	[smem:$0x3FB5] =	sst s0;
	s0 =	simm.s32 @!p2 $0x0  }
0x16: {  	s3 =	sld [smem:$0x3FDB];
	s0 =	simm.s32 @p2 $0x1  }
0x17: {  	s4 =	simm.s32 $0x1BF5;
	[smem:$0x3FB7] =	sst s0  }
0x18: {  	s0 =	sld [smem:$0x3F9A];
	_ =	swait.ge [sflag:s4], $0x0  }
0x19: {  	s7 =	sld [smem:$0x3F9B]  }
0x1a: {  	s8 =	sadd.s32 $0xFFFFE003, lr  }
0x1b: {  	s9 =	sadd.s32 $0xFFFFFEF7, lr;
	s5 =	simm.s32 $0xFFFFFFFF;
	p2 =	slt.u32 s8, $0xFFFFF086  }
0x1c: {  	p1 =	slt.u32 s9, $0xF7A;
	s5 =	simm.s32 @!p2 $0x0  }
0x1d: {  	s5 =	simm.s32 @p1 $0x1;
	p0 =	seq.s32 s7, s2  }
0x1e: {  	s7 =	smul.u32 @!p0 $0xF7A, s2;
	p2 =	seq.s32 @!p0 s5, $0x0  }
0x1f: {  	s9 =	smul.u32 $0xF7A, s1;
	s8 =	simm.s32 @!p0 $0x1BF5;
	p2 =	por !p2, p0  }
0x20: {  	[sflag:s8] =	ssyncset.s32 @!p0 $0xFFFFF086;
	s6 =	sadd.s32 @!p0 s3, s7;
	s7 =	simm.s32 @!p0 $0x108  }
0x21: {  	s3 =	sadd.s32 s3, s9;
	s6 =	sadd.s32 @!p0 $0x88, s6;
	s7 =	simm.s32 @p2 $0x1082  }
0x22: {  	[simem:s7], [sflag:s8] =	dma.local @!p0 [hbm:s6], $0xF7A  }
0x23: {  	s9 =	sor.u32 $0xD0000000, s2;
	s6 =	simm.s32 $0x108;
	_ =	swait.ge @!p0 [sflag:s8], $0x0  }
0x24: {  	s3 =	sadd.s32 $0x88, s3;
	s6 =	simm.s32 @!p1 $0x1082;
	[sflag:s4] =	ssyncset.s32 $0xFFFFF086  }
0x25: {  	[simem:s6], [sflag:s4] =	dma.local [hbm:s3], $0xF7A  }
0x26: {  	[smem:$0x3F9B] =	sst s1;
	(tag) =	ssettag s2;
	_ =	strace s9  }
0x27: {  	s1 =	sld [smem:$0x3FAB]  }
0x28: {  	s2 =	sld [smem:$0x3FAC]  }
0x29: {  	s4 =	sld [smem:$0x3FAE]  }
0x2a: {  	p0 =	seq.s32 s5, $0x0;
	s5 =	sld [smem:$0x3FAF]  }
0x2b: {  	s6 =	sld [smem:$0x3FB0]  }
0x2c: {  	s7 =	sld [smem:$0x3FB1]  }
0x2d: {  	s3 =	simm.s32 $0x108;
	s8 =	sld [smem:$0x3FB2]  }
0x2e: {  	s3 =	simm.s32 @!p0 $0x1082;
	s9 =	sld [smem:$0x3FB3]  }
0x2f: {  	lr =	sadd.s32 s0, s3;
	s0 =	sld [smem:$0x3FAA]  }
0x30: {  	s3 =	sld [smem:$0x3FAD]  }
0x31: {  	[smem:$0x3FB6] =	sst s10  }
0x32: {  	s10 =	sld [smem:$0x3FB4];
	_ =	sdelay $0x3  }
0x33: {  	p0 =	seq.s32 s10, $0x1;
	s10 =	sld [smem:$0x3FB6];
	_ =	sdelay $0x3  }
0x34: {  	[smem:$0x3FB6] =	sst s10  }
0x35: {  	s10 =	sld [smem:$0x3FB5];
	_ =	sdelay $0x3  }
0x36: {  	p1 =	seq.s32 s10, $0x1;
	s10 =	sld [smem:$0x3FB6];
	_ =	sdelay $0x3  }
0x37: {  	[smem:$0x3FB6] =	sst s10  }
0x38: {  	s10 =	sld [smem:$0x3FB7]  }
0x39: {  	_ = 	snop;
	(pc) =	sbr.ind lr, $3  }
0x3a: {  	_ = 	snop  }
0x3b: {  	_ = 	snop  }
0x3c: {  	p2 =	seq.s32 s10, $0x1;
	s10 =	sld [smem:$0x3FB6]  }
0x3d: {  	_ =	shalt  }
0x3e: {  	_ =	shalt  }
0x3f: {  	_ =	shalt  }
0x40: {  	_ =	shalt  }
0x41: {  	_ =	shalt  }
0x42: {  	_ =	shalt  }
0x43: {  	_ =	shalt  }
0x44: {  	_ =	shalt  }
0x45: {  	_ =	shalt  }
0x46: {  	_ =	shalt  }
0x47: {  	_ =	shalt  }
0x48: {  	_ =	shalt  }
0x49: {  	_ =	shalt  }
0x4a: {  	_ =	shalt  }
0x4b: {  	_ =	shalt  }
0x4c: {  	_ =	shalt  }
0x4d: {  	_ =	shalt  }
0x4e: {  	_ =	shalt  }
0x4f: {  	_ =	shalt  }
0x50: {  	_ =	shalt  }
0x51: {  	_ =	shalt  }
0x52: {  	_ =	shalt  }
0x53: {  	_ =	shalt  }
0x54: {  	_ =	shalt  }
0x55: {  	_ =	shalt  }
0x56: {  	_ =	shalt  }
0x57: {  	_ =	shalt  }
0x58: {  	_ =	shalt  }
0x59: {  	_ =	shalt  }
0x5a: {  	_ =	shalt  }
0x5b: {  	_ =	shalt  }
0x5c: {  	_ =	shalt  }
0x5d: {  	_ =	shalt  }
0x5e: {  	_ =	shalt  }
0x5f: {  	_ =	shalt  }
0x60: {  	_ =	shalt  }
0x61: {  	_ =	shalt  }
0x62: {  	_ =	shalt  }
0x63: {  	_ =	shalt  }
0x64: {  	_ =	shalt  }
0x65: {  	_ =	shalt  }
0x66: {  	_ =	shalt  }
0x67: {  	_ =	shalt  }
0x68: {  	_ =	shalt  }
0x69: {  	_ =	shalt  }
0x6a: {  	_ =	shalt  }
0x6b: {  	_ =	shalt  }
0x6c: {  	_ =	shalt  }
0x6d: {  	_ =	shalt  }
0x6e: {  	_ =	shalt  }
0x6f: {  	_ =	shalt  }
0x70: {  	_ =	shalt  }
0x71: {  	_ =	shalt  }
0x72: {  	_ =	shalt  }
0x73: {  	_ =	shalt  }
0x74: {  	_ =	shalt  }
0x75: {  	_ =	shalt  }
0x76: {  	_ =	shalt  }
0x77: {  	_ =	shalt  }
0x78: {  	_ =	shalt  }
0x79: {  	_ =	shalt  }
0x7a: {  	_ =	shalt  }
0x7b: {  	_ =	shalt  }
0x7c: {  	_ =	shalt  }
0x7d: {  	_ =	shalt  }
0x7e: {  	_ =	shalt  }
0x7f: {  	_ =	shalt  }
0x80: {  	_ =	shalt  }
0x81: {  	_ =	shalt  }
0x82: {  	_ =	shalt  }
0x83: {  	_ =	shalt  }
0x84: {  	_ =	shalt  }
0x85: {  	_ =	shalt  }
0x86: {  	_ =	shalt  }
0x87: {  	_ =	shalt  }
.Lfunc_end0:
.L_simem_size_0:
called_computation_lowered:
.L_overlay_start_0:
0x88: {  	s2 =	sld [smem:$0x3FD9]  }
0x89: {  	s3 =	sld [smem:$0x3FFE];
	_ =	sdelay $0x1  }
0x8a: {  	s1 =	srdreg.scid  }
0x8b: {  	s0 =	sand.u32 $0x1, s1  }
0x8c: {  	s17 =	sshll.u32 s0, $0xA;
	s2 =	sadd.s32 s3, s2  }
0x8d: {  	s2 =	sadd.s32 s2, s17  }
0x8e: {  	[smem:$0x3FC2] =	sst s2  }
0x8f: {  	_ = 	snop  }
0x90: {  	s2 =	sld [smem:$0x3FD0];
	(tm) =	ssettm $0x1  }
0x91: {  	s18 =	sld [smem:$0x3FFB];
	_ =	sdelay $0x3  }
0x92: {  	_ =	strace s18  }
0x93: {  	s3 =	sld [smem:$0x3FFC];
	_ =	sdelay $0x3  }
0x94: {  	_ =	strace s3  }
0x95: {  	s3 =	sld [smem:$0x3FFD];
	_ =	sdelay $0x3  }
0x96: {  	_ =	strace s3  }
0x97: {  	_ =	strace $0x8FFFFFFF  }
0x98: {  	s19 =	sld [smem:$0x3FDB];
	_ =	sdelay $0x1  }
0x99: {  	s4 =	simm.s32 $_scs_section_size  }
0x9a: {  	s5 =	simm.s32 $_size__tile_overlayer_lowered;
	s6 =	simm.s32 $_tile_overlayer_lowered  }
0x9b: {  	s22 =	simm.s32 $0x1BFF;
	s21 =	sshll.u32 s6, $0x1;
	s3 =	sadd.s32 s4, s19  }
0x9c: {  	s7 =	simm.s32 $0x0;
	s20 =	sshll.u32 s5, $0x1;
	s5 =	sadd.s32 s21, s3  }
0x9d: {  	[timem:s7], [sflag:s22] =	dma.local [hbm:s5], s20  }
0x9e: {  	_ =	swait.ge [sflag:s22], s20  }
0x9f: {  	s4 =	ssub.s32 $0x0, s20;
	[sflag:s22] =	ssyncset.done $0x0  }
0xa0: {  	[sflag:s22] =	ssyncadd.s32 s4;
	_ =	sdelay $0x1  }
0xa1: {  	s23 =	simm.s32 $0x1B8B  }
0xa2: {  	_ =	swait.ge [sflag:s23], $0x1  }
0xa3: {  	[sflag:s23] =	ssyncset.done $0x0  }
0xa4: {  	s25 =	simm.s32 $0x1B8E;
	s24 =	sld [smem:$0x3FFE];
	[sflag:s23] =	ssyncadd.s32 $0xFFFFFFFF  }
0xa5: {  	s26 =	simm.s32 $execute0_lowered;
	[smem:$0x3FD2] =	sst s25  }
0xa6: {  	s5 =	sshll.u32 s26, $0x1;
	_ =	strace $0x80000046;
	[dreg:$0x1] =	wrdreg $0xFFFFFFFF  }
0xa7: {  	s28 =	simm.s32 $_size_execute0_lowered;
	s3 =	sadd.s32 s3, s5;
	[dreg:$0x0] =	wrdreg $0x0  }
0xa8: {  	s5 =	sshll.u32 s28, $0x1;
	[dreg:$0x2] =	wrdreg s3  }
0xa9: {  	[dreg:$0x3] =	wrdreg s5  }
0xaa: {  	[dreg:$0x4] =	wrdreg $0xC0  }
0xab: {  	_ =	task [dreg:s7], $0x5FFFF  }
0xac: {  	[dreg:$0x1] =	wrdreg $0xFFFFFFFF  }
0xad: {  	[dreg:$0x0] =	wrdreg $0x60  }
0xae: {  	[dreg:$0x2] =	wrdreg s24  }
0xaf: {  	[dreg:$0x3] =	wrdreg s2  }
0xb0: {  	[dreg:$0x4] =	wrdreg $0x9  }
0xb1: {  	_ =	task.clear_ibuf [dreg:s7], $0x5FFFF;
	_ =	strace $0x90000046  }
0xb2: {  	s29 =	simm.s32 $0x9;
	_ =	strace $0x80000048  }
0xb3: {  	_ =	swait.ge [sflag:s29], $0x1  }
0xb4: {  	[sflag:s29] =	ssyncadd.s32 $0xFFFFFFFF  }
0xb5: {  	_ =	strace $0x90000048  }
0xb6: {  	_ =	sfence  }
0xb7: {  	s30 =	sld [smem:$0x0];
	_ =	sdelay $0x2  }
0xb8: {  	s31 =	sshll.u32 s1, $0xD;
	s1 =	sshrl.u32 s1, $0x2  }
0xb9: {  	s3 =	sand.u32 $0x4000, s31;
	s1 =	sadd.s32 s1, s30  }
0xba: {  	s0 =	sor.u32 s3, s0;
	s1 =	sshll.u32 s1, $0x11  }
0xbb: {  	s0 =	sor.u32 s1, s0  }
0xbc: {  	s0 =	sadd.s32 $0x8F2B, s0  }
0xbd: {  	[sflag:s0] =	ssyncadd.remote.s32 $0x1  }
0xbe: {  	_ =	sfence.sel $0xFFFF  }
0xbf: {  	[dreg:$0x0] =	wrdreg $0xFFFFFFFF;
	(pc) =	sbr.abs _section_cstart, $3  }
0xc0: {  	[dreg:$0x1] =	wrdreg $0xFFFFFFFF  }
0xc1: {  	_ =	task.clear_ibuf [dreg:s7], $0x2FFFF;
	_ =	strace $0x9FFFFFFF  }
0xc2: {  	(tm) =	ssettm $0x7FFFFFFF  }
0xc3: {  	_ =	shalt  }
tec
execute0_lowered:
.L_overlay_start_1:
0x0: {  	(tag) =	ssettag $0x1  }
0x1: {  	s3 =	rddreg [dreg:$0x0]  }
0x2: {  	s1 =	srdreg.scid;
	s0 =	stileid.u32  }
0x3: {  	s4 =	rddreg [dreg:$0x1];
	s9 =	simm.s32 $0x400;
	s10 =	simm.s32 $0x0  }
0x4: {  	s5 =	sand.u32 $0x1, s1;
	s2 =	sshll.u32 s0, $0x1;
	s1 =	rddreg [dreg:$0x2]  }
0x5: {  	s7 =	sshrl.u32 s0, $0x2;
	s6 =	sor.u32 s5, s2;
	s2 =	simm.s32 $0x0  }
0x6: {  	s7 =	smul.u32 $0x13C00, s7;
	s5 =	ssub.s32 $0x2, s5;
	s8 =	sshll.u32 s6, $0x7  }
0x7: {  	[smem:$0x7FF] =	sst s2;
	s6 =	smul.u32 $0x4E2, s6;
	s31 =	sshrl.u32 s5, $0x1  }
0x8: {  	s8 =	sand.u32 $0x380, s8;
	_ =	strace $0x80000047;
	s5 =	ssub.s32 s5, s31  }
0x9: {  	s7 =	sor.u32 s7, s8;
	s3 =	sadd.s32 s6, s3;
	s5 =	smax.u32 s5, $0x1  }
0xa: {  	s6 =	simm.s32 $0x2780;
	s8 =	simm.s32 $0x80;
	s7 =	sshrl.u32 s7, $0x3  }
0xb: {  	v0 =	vimm.f32 $0.0e+00;
	v1 =	vimm.f32 $1.000000000e+00;
	s3 =	sadd.s32 $0xB600, s3;
	s4 =	sadd.s32 s4, s7;
	s7 =	simm.s32 $0x1  }
.LBB2_1:
0xc: {  	s11 =	simm.s32 $0x40;
	s12 =	simm.s32 $0x0  }
.LBB2_2:
0xd: {  	p0 =	sne.s32 s11, $0x9C00;
	[tilespmem:s12+$0x0] =	vst v0;
	s12 =	smov.u32 s11;
	s11 =	sadd.s32 $0x40, s11  }
.Ltmp0:
0xe: {  	(pc) =	sbr.rel @p0 .LBB2_2-.Ltmp0, $2  }
0xf: {  	_ =	sdelay $0x2  }
0x10: {  	s12 =	sshra.s32 s12, $0x2  }
0x11: {  	[tilespmem:s12+$0x0] =	vst v0;
	s11 =	simm.s32 $0x0  }
0x12: {  	[tilespmem:s6], [sflag:$0x1] =	stream.linear.gather [hbm4b:s3+s11], $0x2710, $0x38;
	[tilespmem:$0x4F00] =	vst v63  }
0x13: {  	_ =	swait.ge [sflag:s7], $0x2710  }
0x14: {  	[sflag:s7] =	ssyncset.done $0x0  }
0x15: {  	s12 =	simm.s32 $0x0;
	s11 =	simm.s32 $0x40;
	[sflag:s7] =	ssyncadd.s32 $0xFFFFD8F0  }
.LBB2_4:
0x16: {  	p0 =	sne.s32 s11, $0x9C00;
	v2 =	vld [tilespmem:s12+$0x2780];
	_ =	sdelay $0x3  }
.Ltmp1:
0x17: {  	(pc) =	sbr.rel @p0 .LBB2_4-.Ltmp1, $2  }
0x18: {  	_ =	sdelay $0x2  }
0x19: {  	s12 =	sshra.s32 s11, $0x2;
	s11 =	sadd.s32 $0x40, s11;
	[tilespmem:v2+s2+$0x0] =	vst.idx.add.f32.msk $0xffff, v1  }
0x1a: {  	v2 =	vld [tilespmem:s12+$0x2780];
	_ =	sdelay $0x5  }
0x1b: {  	s10 =	sadd.s32 $0x1, s10  }
0x1c: {  	p0 =	sne.s32 s10, s5  }
.Ltmp2:
0x1d: {  	[tilespmem:v2+s2+$0x0] =	vst.idx.add.f32.msk $0xffff, v1;
	(pc) =	sbr.rel @p0 .LBB2_1-.Ltmp2, $4  }
0x1e: {  	[hbm4b:s4+s8] =	stream.strided.scatter [tilespmem:s2], [sflag:$0x1], $0x2780, s9, s8, $0x38;
	[tilespmem:$0x4F00] =	vst v63  }
0x1f: {  	_ =	swait.ge [sflag:s7], $0x2780  }
0x20: {  	[sflag:s7] =	ssyncset.done $0x0  }
0x21: {  	[sflag:s7] =	ssyncadd.s32 $0xFFFFD880  }
0x22: {  	_ =	sfence.sel $0x180000  }
0x23: {  	[bflag:$0x0] =	sbarrier.arrive $0xFFFF  }
0x24: {  	p0 =	sne.s32 s0, $0x0;
	_ =	strace $0x90000047  }
0x25: {  	s0 =	sadd.s32 @!p0 $0x100000, s1;
	[bflag:$0x2] =	sbarrier.arrive $0xFFFF  }
0x26: {  	[sflag:s0] =	ssyncadd.tile.s32 @!p0 $0x1;
	_ =	shalt  }
.Lfunc_end2:
_tile_overlayer_lowered:
.L_overlay_start_2:
0x27: {  	(tag) =	ssettag $0x2  }
0x28: {  	s0 =	rddreg [dreg:$0x0];
	s2 =	stileid.u32  }
0x29: {  	s1 =	rddreg [dreg:$0x1];
	p0 =	sne.s32 s2, $0x0  }
0x2a: {  	s3 =	rddreg [dreg:$0x2];
	[bflag:$0x3] =	sbarrier.arrive $0xFFFF;
	s2 =	simm.s32 @!p0 $0x1C01  }
0x2b: {  	[timem:s3], [sflag:s2] =	dma.local @!p0 [hbm:s0], s1  }
0x2c: {  	s0 =	simm.s32 @!p0 $0x1  }
0x2d: {  	_ =	swait.ge @!p0 [sflag:s0], s1  }
0x2e: {  	s1 =	ssub.s32 @!p0 $0x0, s1;
	[sflag:s0] =	ssyncset.done @!p0 $0x0  }
0x2f: {  	[sflag:s0] =	ssyncadd.s32 @!p0 s1  }
0x30: {  	[bflag:$0x3] =	sbarrier.arrive $0xFFFF  }
0x31: {  	_ =	shalt  }

</sc_bundles>
